<compile_context>
chip_gen: v7x
topology: tpu7x:2x2x1
jax: 0.10.2.dev20260603
libtpu: 0.0.44.dev20260713+nightly
codegen_flags: <defaults>
</compile_context>

<pallas_src>
import functools

import jax
import jax.numpy as jnp
from jax import lax
from jax.experimental import pallas as pl
from jax.experimental.pallas import tpu as pltpu
from jax.experimental.pallas import tpu_sc as plsc

_NC = 2
_NS = 16
_NW = _NC * _NS
_CHUNK = 128


def _sc_gather(stu_id, exer_id, mean_table, cov_table, kd_table, ed_flat):
  B = stu_id.shape[0]
  KN = mean_table.shape[1]
  b_per_w = B // _NW
  n_chunks = b_per_w // _CHUNK

  stu_idx3 = stu_id.reshape(_NW, n_chunks, _CHUNK)
  exer_idx3 = exer_id.reshape(_NW, n_chunks, _CHUNK)

  mesh = plsc.VectorSubcoreMesh(
      core_axis_name="c", subcore_axis_name="s", num_cores=_NC,
      num_subcores=_NS)

  @functools.partial(
      pl.kernel,
      out_type=(
          jax.ShapeDtypeStruct((B, KN), jnp.float32),
          jax.ShapeDtypeStruct((B, KN), jnp.float32),
          jax.ShapeDtypeStruct((B, KN), jnp.float32),
          jax.ShapeDtypeStruct((B,), jnp.float32),
      ),
      mesh=mesh,
      compiler_params=pltpu.CompilerParams(use_tc_tiling_on_sc=True),
      scratch_types=[
          pltpu.VMEM((n_chunks, _CHUNK), jnp.int32),
          pltpu.VMEM((n_chunks, _CHUNK), jnp.int32),
          pltpu.VMEM((2, _CHUNK, KN), jnp.float32),
          pltpu.VMEM((2, _CHUNK, KN), jnp.float32),
          pltpu.VMEM((2, _CHUNK, KN), jnp.float32),
          pltpu.VMEM((2, _CHUNK), jnp.float32),
          pltpu.SemaphoreType.DMA,
          pltpu.SemaphoreType.DMA,
          pltpu.SemaphoreType.DMA,
          pltpu.SemaphoreType.DMA,
      ],
  )
  def gather_kernel(stu_idx_hbm, exer_idx_hbm, mean_hbm, cov_hbm, kd_hbm,
                    ed_hbm, mean_out, cov_out, kd_out, ed_out,
                    sidx_v, eidx_v, mean_v, cov_v, kd_v, ed_v,
                    gsem0, gsem1, wsem0, wsem1):
    wid = lax.axis_index("s") * _NC + lax.axis_index("c")
    base = wid * b_per_w
    pltpu.sync_copy(stu_idx_hbm.at[wid], sidx_v)
    pltpu.sync_copy(exer_idx_hbm.at[wid], eidx_v)
    gsems = (gsem0, gsem1)
    wsems = (wsem0, wsem1)

    def fire_gather(c):
      s = c % 2
      return [
          pltpu.async_copy(mean_hbm.at[sidx_v.at[c]], mean_v.at[s], gsems[s]),
          pltpu.async_copy(cov_hbm.at[sidx_v.at[c]], cov_v.at[s], gsems[s]),
          pltpu.async_copy(kd_hbm.at[eidx_v.at[c]], kd_v.at[s], gsems[s]),
          pltpu.async_copy(ed_hbm.at[eidx_v.at[c]], ed_v.at[s], gsems[s]),
      ]

    def fire_writeback(c):
      s = c % 2
      off = base + c * _CHUNK
      return [
          pltpu.async_copy(mean_v.at[s], mean_out.at[pl.ds(off, _CHUNK)],
                           wsems[s]),
          pltpu.async_copy(cov_v.at[s], cov_out.at[pl.ds(off, _CHUNK)],
                           wsems[s]),
          pltpu.async_copy(kd_v.at[s], kd_out.at[pl.ds(off, _CHUNK)],
                           wsems[s]),
          pltpu.async_copy(ed_v.at[s], ed_out.at[pl.ds(off, _CHUNK)],
                           wsems[s]),
      ]

    gat = {0: fire_gather(0)}
    wbs = {}
    for c in range(n_chunks):
      if c + 1 < n_chunks:
        if c - 1 >= 0:
          for d in wbs[c - 1]:
            d.wait()
        gat[c + 1] = fire_gather(c + 1)
      for d in gat[c]:
        d.wait()
      wbs[c] = fire_writeback(c)
    for d in wbs[n_chunks - 2] + wbs[n_chunks - 1]:
      d.wait()

  return gather_kernel(stu_idx3, exer_idx3, mean_table, cov_table, kd_table,
                       ed_flat)


def _tc_mlp(stu_mean, kd_raw, ed_raw, kn_id, w1q, b1q, w2q, b2q, w3q, b3q):
  B, KN = stu_mean.shape
  L1 = w1q.shape[0]
  L2 = w2q.shape[0]
  BB = 4096
  grid = (B // BB,)

  dn = (((1,), (1,)), ((), ()))

  def body(mean_ref, kd_ref, ed_ref, kn_ref, w1_ref, b1_ref, w2_ref, b2_ref,
           w3_ref, b3_ref, out_ref):
    bf = jnp.bfloat16
    t_m = jnp.tanh((0.5 * mean_ref[...]).astype(bf))
    t_k = jnp.tanh((0.5 * kd_ref[...]).astype(bf))
    c_row = 2.5 * (jnp.tanh(0.5 * ed_ref[...]) + 1.0)
    c = jnp.reshape(c_row, (c_row.shape[1], 1))
    x = (c * (t_m - t_k).astype(jnp.float32) * kn_ref[...]).astype(bf)
    t1 = jnp.tanh(
        (lax.dot_general(x, w1_ref[...], dn,
                         preferred_element_type=jnp.float32)
         + b1_ref[...]).astype(bf))
    t2 = jnp.tanh(
        (lax.dot_general(t1, w2_ref[...], dn,
                         preferred_element_type=jnp.float32)
         + b2_ref[...]).astype(bf))
    ot = lax.dot_general(w3_ref[...], t2, dn,
                         preferred_element_type=jnp.float32)
    out_ref[...] = 0.5 * jnp.tanh(ot + b3_ref[...]) + 0.5

  return pl.pallas_call(
      body,
      grid=grid,
      in_specs=[
          pl.BlockSpec((BB, KN), lambda i: (i, 0)),
          pl.BlockSpec((BB, KN), lambda i: (i, 0)),
          pl.BlockSpec((1, BB), lambda i: (0, i)),
          pl.BlockSpec((BB, KN), lambda i: (i, 0)),
          pl.BlockSpec((L1, KN), lambda i: (0, 0)),
          pl.BlockSpec((1, L1), lambda i: (0, 0)),
          pl.BlockSpec((L2, L1), lambda i: (0, 0)),
          pl.BlockSpec((1, L2), lambda i: (0, 0)),
          pl.BlockSpec((1, L2), lambda i: (0, 0)),
          pl.BlockSpec((1, 1), lambda i: (0, 0)),
      ],
      out_specs=pl.BlockSpec((1, BB), lambda i: (0, i)),
      out_shape=jax.ShapeDtypeStruct((1, B), jnp.float32),
  )(stu_mean, kd_raw, ed_raw, kn_id, w1q, b1q, w2q, b2q, w3q, b3q)


def kernel(stu_id, exer_id, kn_id, d_type, mean_table, cov_table, kd_table,
           ed_table, W1, b1, W2, b2, W3, b3):
  bf = jnp.bfloat16
  w1q = (0.5 * W1).astype(bf)
  b1q = (0.5 * b1).reshape(1, -1)
  w2q = (0.25 * W2).astype(bf)
  b2q = (0.5 * (b2 + 0.5 * W2.sum(axis=1))).reshape(1, -1)
  w3q = (0.25 * W3).astype(bf)
  b3q = (0.5 * (b3 + 0.5 * W3.sum(axis=1))).reshape(1, -1)
  stu_mean, log_cov, kd_raw, ed_raw = _sc_gather(
      stu_id, exer_id, mean_table, cov_table, kd_table, ed_table.reshape(-1))
  out_row = _tc_mlp(stu_mean, kd_raw, ed_raw.reshape(1, -1), kn_id,
                    w1q, b1q, w2q, b2q, w3q, b3q)
  return (out_row.reshape(-1, 1), stu_mean, log_cov)

# --- scband reference (transcript-rebuilt; emitter-appended) ---
"""Pipeline reference for scband-net-41824391528743 (READ-ONLY COPY).

The authoritative reference and input builder live on the scoring server;
editing this copy changes nothing except your own understanding.
"""

import jax, jax.numpy as jnp
import numpy as np

STUDENT_N = 100000
EXER_N = 100000
KN = 128
B = 16384
L1 = 512
L2 = 256


def setup_inputs(seed: int = 0) -> dict:
    key = jax.random.key(seed)
    ks = jax.random.split(key, 14)
    stu_id = jax.random.randint(ks[0], (B,), 0, STUDENT_N)
    exer_id = jax.random.randint(ks[1], (B,), 0, EXER_N)
    kn_id = jax.random.uniform(ks[2], (B, KN), dtype=jnp.float32)
    d_type = 0  # any value != 'train' selects the val/test branch
    mean_table = jax.random.normal(ks[3], (STUDENT_N, KN), dtype=jnp.float32) * 0.1
    cov_table = jax.random.normal(ks[4], (STUDENT_N, KN), dtype=jnp.float32) * 0.1
    kd_table = jax.random.normal(ks[5], (EXER_N, KN), dtype=jnp.float32) * 0.1
    ed_table = jax.random.normal(ks[6], (EXER_N, 1), dtype=jnp.float32) * 0.1
    W1 = jax.random.normal(ks[7], (L1, KN), dtype=jnp.float32) * (1.0 / np.sqrt(KN))
    b1 = jnp.zeros((L1,), dtype=jnp.float32)
    W2 = jax.random.normal(ks[8], (L2, L1), dtype=jnp.float32) * (1.0 / np.sqrt(L1))
    b2 = jnp.zeros((L2,), dtype=jnp.float32)
    W3 = jax.random.normal(ks[9], (1, L2), dtype=jnp.float32) * (1.0 / np.sqrt(L2))
    b3 = jnp.zeros((1,), dtype=jnp.float32)
    return {
        "stu_id": stu_id, "exer_id": exer_id, "kn_id": kn_id, "d_type": d_type,
        "mean_table": mean_table, "cov_table": cov_table,
        "kd_table": kd_table, "ed_table": ed_table,
        "W1": W1, "b1": b1, "W2": W2, "b2": b2, "W3": W3, "b3": b3,
    }


def reference(stu_id, exer_id, kn_id, d_type,
              mean_table, cov_table, kd_table, ed_table,
              W1, b1, W2, b2, W3, b3):
    # val/test branch (d_type != 'train'); dropout is identity in eval mode
    stu_mean = jnp.take(mean_table, stu_id, axis=0)
    log_stu_covariance = jnp.take(cov_table, stu_id, axis=0)
    k_difficulty = jax.nn.sigmoid(jnp.take(kd_table, exer_id, axis=0))
    e_discrimination = jax.nn.sigmoid(jnp.take(ed_table, exer_id, axis=0)) * 10.0
    stu_emb = jax.nn.sigmoid(stu_mean)
    output_0 = e_discrimination * (stu_emb - k_difficulty) * kn_id
    output_0 = jax.nn.sigmoid(output_0 @ W1.T + b1)
    output_0 = jax.nn.sigmoid(output_0 @ W2.T + b2)
    output = jax.nn.sigmoid(output_0 @ W3.T + b3)
    return (output, stu_mean, log_stu_covariance)

if __name__ == "__main__":
    import jax
    _d = setup_inputs()
    print(jax.jit(kernel)(*tuple(_d.values())))

</pallas_src>

<mosaic_0001>
#map = affine_map<(d0, d1) -> (0, 0, 0)>
#map1 = affine_map<(d0, d1) -> (0, 0)>
#map2 = affine_map<(d0, d1) -> (0)>
module attributes {stable_mosaic.version = 14 : i64} {
  func.func @gather_kernel(%arg0: i32, %arg1: i32, %arg2: memref<32x4x128xi32, #tpu.memory_space<hbm>>, %arg3: memref<32x4x128xi32, #tpu.memory_space<hbm>>, %arg4: memref<100000x128xf32, #tpu.memory_space<hbm>>, %arg5: memref<100000x128xf32, #tpu.memory_space<hbm>>, %arg6: memref<100000x128xf32, #tpu.memory_space<hbm>>, %arg7: memref<100000xf32, #tpu.memory_space<hbm>>, %arg8: memref<16384x128xf32, #tpu.memory_space<hbm>>, %arg9: memref<16384x128xf32, #tpu.memory_space<hbm>>, %arg10: memref<16384x128xf32, #tpu.memory_space<hbm>>, %arg11: memref<16384xf32, #tpu.memory_space<hbm>>, %arg12: memref<4x128xi32, #tpu.memory_space<vmem>>, %arg13: memref<4x128xi32, #tpu.memory_space<vmem>>, %arg14: memref<2x128x128xf32, #tpu.memory_space<vmem>>, %arg15: memref<2x128x128xf32, #tpu.memory_space<vmem>>, %arg16: memref<2x128x128xf32, #tpu.memory_space<vmem>>, %arg17: memref<2x128xf32, #tpu.memory_space<vmem>>, %arg18: memref<!tpu.dma_semaphore, #tpu.memory_space<semaphore_mem>>, %arg19: memref<!tpu.dma_semaphore, #tpu.memory_space<semaphore_mem>>, %arg20: memref<!tpu.dma_semaphore, #tpu.memory_space<semaphore_mem>>, %arg21: memref<!tpu.dma_semaphore, #tpu.memory_space<semaphore_mem>>) attributes {dimension_semantics = [#tpu.dimension_semantics<core_parallel>, #tpu.dimension_semantics<subcore_parallel>], iteration_bounds = array<i64: 2, 16>, scalar_prefetch = 0 : i64, scratch_operands = 10 : i64, tpu.core_type = #tpu.core_type<sc_vector_subcore>, window_params = [{transform_indices = #map}, {transform_indices = #map}, {transform_indices = #map1}, {transform_indices = #map1}, {transform_indices = #map1}, {transform_indices = #map2}, {transform_indices = #map1}, {transform_indices = #map1}, {transform_indices = #map1}, {transform_indices = #map2}]} {
    %mul3A = arith.constant 2 : i32
    %mul3A_0 = arith.muli %arg1, %mul3A : i32
    %add3A = arith.addi %mul3A_0, %arg0 : i32
    %mul3A_1 = arith.constant 512 : i32
    %mul3A_2 = arith.muli %add3A, %mul3A_1 : i32
    "tpu.region"() ({
      %run_scoped3A = tpu.sem_alloc : memref<!tpu.dma_semaphore, #tpu.memory_space<semaphore_mem>>
      %dma_start3A_761 = arith.constant 0 : i32
      %dma_start3A_762 = arith.constant 0 : i32
      %dma_start3A_763 = tpu.memref_slice %arg2[%add3A, %dma_start3A_761, %dma_start3A_762] : memref<32x4x128xi32, #tpu.memory_space<hbm>> -> memref<1x4x128xi32, #tpu.memory_space<hbm>>
      %dma_start3A_764 = tpu.memref_squeeze %dma_start3A_763 : memref<1x4x128xi32, #tpu.memory_space<hbm>> -> memref<4x128xi32, #tpu.memory_space<hbm>>
      %dma_start3A_765 = arith.constant 0 : i32
      %dma_start3A_766 = arith.constant 0 : i32
      %dma_start3A_767 = tpu.memref_slice %arg2[%add3A, %dma_start3A_765, %dma_start3A_766] : memref<32x4x128xi32, #tpu.memory_space<hbm>> -> memref<1x4x128xi32, #tpu.memory_space<hbm>>
      %dma_start3A_768 = tpu.memref_squeeze %dma_start3A_767 : memref<1x4x128xi32, #tpu.memory_space<hbm>> -> memref<4x128xi32, #tpu.memory_space<hbm>>
      tpu.enqueue_dma source(%dma_start3A_768 : memref<4x128xi32, #tpu.memory_space<hbm>>) target(%arg12 : memref<4x128xi32, #tpu.memory_space<vmem>>) target_semaphore(%run_scoped3A : memref<!tpu.dma_semaphore, #tpu.memory_space<semaphore_mem>>)
      %dma_wait3A_769 = arith.constant 0 : i32
      %dma_wait3A_770 = arith.constant 0 : i32
      %dma_wait3A_771 = tpu.memref_slice %arg2[%add3A, %dma_wait3A_769, %dma_wait3A_770] : memref<32x4x128xi32, #tpu.memory_space<hbm>> -> memref<1x4x128xi32, #tpu.memory_space<hbm>>
      %dma_wait3A_772 = tpu.memref_squeeze %dma_wait3A_771 : memref<1x4x128xi32, #tpu.memory_space<hbm>> -> memref<4x128xi32, #tpu.memory_space<hbm>>
      %dma_wait3A_773 = arith.constant 0 : i32
      %dma_wait3A_774 = arith.constant 0 : i32
      %dma_wait3A_775 = tpu.memref_slice %arg2[%add3A, %dma_wait3A_773, %dma_wait3A_774] : memref<32x4x128xi32, #tpu.memory_space<hbm>> -> memref<1x4x128xi32, #tpu.memory_space<hbm>>
      %dma_wait3A_776 = tpu.memref_squeeze %dma_wait3A_775 : memref<1x4x128xi32, #tpu.memory_space<hbm>> -> memref<4x128xi32, #tpu.memory_space<hbm>>
      tpu.wait_dma2 semaphore(%run_scoped3A : memref<!tpu.dma_semaphore, #tpu.memory_space<semaphore_mem>>) src(%dma_wait3A_776 : memref<4x128xi32, #tpu.memory_space<hbm>>) dst(%arg12 : memref<4x128xi32, #tpu.memory_space<vmem>>)
      tpu.yield
    }) : () -> ()
    "tpu.region"() ({
      %run_scoped3A = tpu.sem_alloc : memref<!tpu.dma_semaphore, #tpu.memory_space<semaphore_mem>>
      %dma_start3A_761 = arith.constant 0 : i32
      %dma_start3A_762 = arith.constant 0 : i32
      %dma_start3A_763 = tpu.memref_slice %arg3[%add3A, %dma_start3A_761, %dma_start3A_762] : memref<32x4x128xi32, #tpu.memory_space<hbm>> -> memref<1x4x128xi32, #tpu.memory_space<hbm>>
      %dma_start3A_764 = tpu.memref_squeeze %dma_start3A_763 : memref<1x4x128xi32, #tpu.memory_space<hbm>> -> memref<4x128xi32, #tpu.memory_space<hbm>>
      %dma_start3A_765 = arith.constant 0 : i32
      %dma_start3A_766 = arith.constant 0 : i32
      %dma_start3A_767 = tpu.memref_slice %arg3[%add3A, %dma_start3A_765, %dma_start3A_766] : memref<32x4x128xi32, #tpu.memory_space<hbm>> -> memref<1x4x128xi32, #tpu.memory_space<hbm>>
      %dma_start3A_768 = tpu.memref_squeeze %dma_start3A_767 : memref<1x4x128xi32, #tpu.memory_space<hbm>> -> memref<4x128xi32, #tpu.memory_space<hbm>>
      tpu.enqueue_dma source(%dma_start3A_768 : memref<4x128xi32, #tpu.memory_space<hbm>>) target(%arg13 : memref<4x128xi32, #tpu.memory_space<vmem>>) target_semaphore(%run_scoped3A : memref<!tpu.dma_semaphore, #tpu.memory_space<semaphore_mem>>)
      %dma_wait3A_769 = arith.constant 0 : i32
      %dma_wait3A_770 = arith.constant 0 : i32
      %dma_wait3A_771 = tpu.memref_slice %arg3[%add3A, %dma_wait3A_769, %dma_wait3A_770] : memref<32x4x128xi32, #tpu.memory_space<hbm>> -> memref<1x4x128xi32, #tpu.memory_space<hbm>>
      %dma_wait3A_772 = tpu.memref_squeeze %dma_wait3A_771 : memref<1x4x128xi32, #tpu.memory_space<hbm>> -> memref<4x128xi32, #tpu.memory_space<hbm>>
      %dma_wait3A_773 = arith.constant 0 : i32
      %dma_wait3A_774 = arith.constant 0 : i32
      %dma_wait3A_775 = tpu.memref_slice %arg3[%add3A, %dma_wait3A_773, %dma_wait3A_774] : memref<32x4x128xi32, #tpu.memory_space<hbm>> -> memref<1x4x128xi32, #tpu.memory_space<hbm>>
      %dma_wait3A_776 = tpu.memref_squeeze %dma_wait3A_775 : memref<1x4x128xi32, #tpu.memory_space<hbm>> -> memref<4x128xi32, #tpu.memory_space<hbm>>
      tpu.wait_dma2 semaphore(%run_scoped3A : memref<!tpu.dma_semaphore, #tpu.memory_space<semaphore_mem>>) src(%dma_wait3A_776 : memref<4x128xi32, #tpu.memory_space<hbm>>) dst(%arg13 : memref<4x128xi32, #tpu.memory_space<vmem>>)
      tpu.yield
    }) : () -> ()
    %dma_start3A = arith.constant 0 : i32
    %dma_start3A_3 = arith.constant 0 : i32
    %dma_start3A_4 = arith.constant 0 : i32
    %dma_start3A_5 = arith.constant 0 : i32
    %dma_start3A_6 = tpu.memref_slice %arg14[%dma_start3A_3, %dma_start3A_4, %dma_start3A_5] : memref<2x128x128xf32, #tpu.memory_space<vmem>> -> memref<1x128x128xf32, #tpu.memory_space<vmem>>
    %dma_start3A_7 = tpu.memref_squeeze %dma_start3A_6 : memref<1x128x128xf32, #tpu.memory_space<vmem>> -> memref<128x128xf32, #tpu.memory_space<vmem>>
    %dma_start3A_8 = arith.constant 0 : i32
    %dma_start3A_9 = tpu.memref_slice %arg12[%dma_start3A, %dma_start3A_8] : memref<4x128xi32, #tpu.memory_space<vmem>> -> memref<1x128xi32, #tpu.memory_space<vmem>>
    %dma_start3A_10 = tpu.memref_squeeze %dma_start3A_9 : memref<1x128xi32, #tpu.memory_space<vmem>> -> memref<128xi32, #tpu.memory_space<vmem>>
    %dma_start3A_11 = arith.constant 0 : i32
    %dma_start3A_12 = arith.constant 0 : i32
    %dma_start3A_13 = tpu.memref_slice %arg4[%dma_start3A_11, %dma_start3A_12] : memref<100000x128xf32, #tpu.memory_space<hbm>> -> memref<100000x128xf32, #tpu.memory_space<hbm>>
    tpu.enqueue_indirect_dma source(%dma_start3A_13 : memref<100000x128xf32, #tpu.memory_space<hbm>>) target(%dma_start3A_7 : memref<128x128xf32, #tpu.memory_space<vmem>>) offsets(%dma_start3A_10 : memref<128xi32, #tpu.memory_space<vmem>>) semaphore(%arg18 : memref<!tpu.dma_semaphore, #tpu.memory_space<semaphore_mem>>)
    %dma_start3A_14 = arith.constant 0 : i32
    %dma_start3A_15 = arith.constant 0 : i32
    %dma_start3A_16 = arith.constant 0 : i32
    %dma_start3A_17 = arith.constant 0 : i32
    %dma_start3A_18 = tpu.memref_slice %arg15[%dma_start3A_15, %dma_start3A_16, %dma_start3A_17] : memref<2x128x128xf32, #tpu.memory_space<vmem>> -> memref<1x128x128xf32, #tpu.memory_space<vmem>>
    %dma_start3A_19 = tpu.memref_squeeze %dma_start3A_18 : memref<1x128x128xf32, #tpu.memory_space<vmem>> -> memref<128x128xf32, #tpu.memory_space<vmem>>
    %dma_start3A_20 = arith.constant 0 : i32
    %dma_start3A_21 = tpu.memref_slice %arg12[%dma_start3A_14, %dma_start3A_20] : memref<4x128xi32, #tpu.memory_space<vmem>> -> memref<1x128xi32, #tpu.memory_space<vmem>>
    %dma_start3A_22 = tpu.memref_squeeze %dma_start3A_21 : memref<1x128xi32, #tpu.memory_space<vmem>> -> memref<128xi32, #tpu.memory_space<vmem>>
    %dma_start3A_23 = arith.constant 0 : i32
    %dma_start3A_24 = arith.constant 0 : i32
    %dma_start3A_25 = tpu.memref_slice %arg5[%dma_start3A_23, %dma_start3A_24] : memref<100000x128xf32, #tpu.memory_space<hbm>> -> memref<100000x128xf32, #tpu.memory_space<hbm>>
    tpu.enqueue_indirect_dma source(%dma_start3A_25 : memref<100000x128xf32, #tpu.memory_space<hbm>>) target(%dma_start3A_19 : memref<128x128xf32, #tpu.memory_space<vmem>>) offsets(%dma_start3A_22 : memref<128xi32, #tpu.memory_space<vmem>>) semaphore(%arg18 : memref<!tpu.dma_semaphore, #tpu.memory_space<semaphore_mem>>)
    %dma_start3A_26 = arith.constant 0 : i32
    %dma_start3A_27 = arith.constant 0 : i32
    %dma_start3A_28 = arith.constant 0 : i32
    %dma_start3A_29 = arith.constant 0 : i32
    %dma_start3A_30 = tpu.memref_slice %arg16[%dma_start3A_27, %dma_start3A_28, %dma_start3A_29] : memref<2x128x128xf32, #tpu.memory_space<vmem>> -> memref<1x128x128xf32, #tpu.memory_space<vmem>>
    %dma_start3A_31 = tpu.memref_squeeze %dma_start3A_30 : memref<1x128x128xf32, #tpu.memory_space<vmem>> -> memref<128x128xf32, #tpu.memory_space<vmem>>
    %dma_start3A_32 = arith.constant 0 : i32
    %dma_start3A_33 = tpu.memref_slice %arg13[%dma_start3A_26, %dma_start3A_32] : memref<4x128xi32, #tpu.memory_space<vmem>> -> memref<1x128xi32, #tpu.memory_space<vmem>>
    %dma_start3A_34 = tpu.memref_squeeze %dma_start3A_33 : memref<1x128xi32, #tpu.memory_space<vmem>> -> memref<128xi32, #tpu.memory_space<vmem>>
    %dma_start3A_35 = arith.constant 0 : i32
    %dma_start3A_36 = arith.constant 0 : i32
    %dma_start3A_37 = tpu.memref_slice %arg6[%dma_start3A_35, %dma_start3A_36] : memref<100000x128xf32, #tpu.memory_space<hbm>> -> memref<100000x128xf32, #tpu.memory_space<hbm>>
    tpu.enqueue_indirect_dma source(%dma_start3A_37 : memref<100000x128xf32, #tpu.memory_space<hbm>>) target(%dma_start3A_31 : memref<128x128xf32, #tpu.memory_space<vmem>>) offsets(%dma_start3A_34 : memref<128xi32, #tpu.memory_space<vmem>>) semaphore(%arg18 : memref<!tpu.dma_semaphore, #tpu.memory_space<semaphore_mem>>)
    %dma_start3A_38 = arith.constant 0 : i32
    %dma_start3A_39 = arith.constant 0 : i32
    %dma_start3A_40 = arith.constant 0 : i32
    %dma_start3A_41 = tpu.memref_slice %arg17[%dma_start3A_39, %dma_start3A_40] : memref<2x128xf32, #tpu.memory_space<vmem>> -> memref<1x128xf32, #tpu.memory_space<vmem>>
    %dma_start3A_42 = tpu.memref_squeeze %dma_start3A_41 : memref<1x128xf32, #tpu.memory_space<vmem>> -> memref<128xf32, #tpu.memory_space<vmem>>
    %dma_start3A_43 = arith.constant 0 : i32
    %dma_start3A_44 = tpu.memref_slice %arg13[%dma_start3A_38, %dma_start3A_43] : memref<4x128xi32, #tpu.memory_space<vmem>> -> memref<1x128xi32, #tpu.memory_space<vmem>>
    %dma_start3A_45 = tpu.memref_squeeze %dma_start3A_44 : memref<1x128xi32, #tpu.memory_space<vmem>> -> memref<128xi32, #tpu.memory_space<vmem>>
    %dma_start3A_46 = arith.constant 0 : i32
    %dma_start3A_47 = tpu.memref_slice %arg7[%dma_start3A_46] : memref<100000xf32, #tpu.memory_space<hbm>> -> memref<100000xf32, #tpu.memory_space<hbm>>
    tpu.enqueue_indirect_dma source(%dma_start3A_47 : memref<100000xf32, #tpu.memory_space<hbm>>) target(%dma_start3A_42 : memref<128xf32, #tpu.memory_space<vmem>>) offsets(%dma_start3A_45 : memref<128xi32, #tpu.memory_space<vmem>>) semaphore(%arg18 : memref<!tpu.dma_semaphore, #tpu.memory_space<semaphore_mem>>)
    %dma_start3A_48 = arith.constant 1 : i32
    %dma_start3A_49 = arith.constant 1 : i32
    %dma_start3A_50 = arith.constant 0 : i32
    %dma_start3A_51 = arith.constant 0 : i32
    %dma_start3A_52 = tpu.memref_slice %arg14[%dma_start3A_49, %dma_start3A_50, %dma_start3A_51] : memref<2x128x128xf32, #tpu.memory_space<vmem>> -> memref<1x128x128xf32, #tpu.memory_space<vmem>>
    %dma_start3A_53 = tpu.memref_squeeze %dma_start3A_52 : memref<1x128x128xf32, #tpu.memory_space<vmem>> -> memref<128x128xf32, #tpu.memory_space<vmem>>
    %dma_start3A_54 = arith.constant 0 : i32
    %dma_start3A_55 = tpu.memref_slice %arg12[%dma_start3A_48, %dma_start3A_54] : memref<4x128xi32, #tpu.memory_space<vmem>> -> memref<1x128xi32, #tpu.memory_space<vmem>>
    %dma_start3A_56 = tpu.memref_squeeze %dma_start3A_55 : memref<1x128xi32, #tpu.memory_space<vmem>> -> memref<128xi32, #tpu.memory_space<vmem>>
    %dma_start3A_57 = arith.constant 0 : i32
    %dma_start3A_58 = arith.constant 0 : i32
    %dma_start3A_59 = tpu.memref_slice %arg4[%dma_start3A_57, %dma_start3A_58] : memref<100000x128xf32, #tpu.memory_space<hbm>> -> memref<100000x128xf32, #tpu.memory_space<hbm>>
    tpu.enqueue_indirect_dma source(%dma_start3A_59 : memref<100000x128xf32, #tpu.memory_space<hbm>>) target(%dma_start3A_53 : memref<128x128xf32, #tpu.memory_space<vmem>>) offsets(%dma_start3A_56 : memref<128xi32, #tpu.memory_space<vmem>>) semaphore(%arg19 : memref<!tpu.dma_semaphore, #tpu.memory_space<semaphore_mem>>)
    %dma_start3A_60 = arith.constant 1 : i32
    %dma_start3A_61 = arith.constant 1 : i32
    %dma_start3A_62 = arith.constant 0 : i32
    %dma_start3A_63 = arith.constant 0 : i32
    %dma_start3A_64 = tpu.memref_slice %arg15[%dma_start3A_61, %dma_start3A_62, %dma_start3A_63] : memref<2x128x128xf32, #tpu.memory_space<vmem>> -> memref<1x128x128xf32, #tpu.memory_space<vmem>>
    %dma_start3A_65 = tpu.memref_squeeze %dma_start3A_64 : memref<1x128x128xf32, #tpu.memory_space<vmem>> -> memref<128x128xf32, #tpu.memory_space<vmem>>
    %dma_start3A_66 = arith.constant 0 : i32
    %dma_start3A_67 = tpu.memref_slice %arg12[%dma_start3A_60, %dma_start3A_66] : memref<4x128xi32, #tpu.memory_space<vmem>> -> memref<1x128xi32, #tpu.memory_space<vmem>>
    %dma_start3A_68 = tpu.memref_squeeze %dma_start3A_67 : memref<1x128xi32, #tpu.memory_space<vmem>> -> memref<128xi32, #tpu.memory_space<vmem>>
    %dma_start3A_69 = arith.constant 0 : i32
    %dma_start3A_70 = arith.constant 0 : i32
    %dma_start3A_71 = tpu.memref_slice %arg5[%dma_start3A_69, %dma_start3A_70] : memref<100000x128xf32, #tpu.memory_space<hbm>> -> memref<100000x128xf32, #tpu.memory_space<hbm>>
    tpu.enqueue_indirect_dma source(%dma_start3A_71 : memref<100000x128xf32, #tpu.memory_space<hbm>>) target(%dma_start3A_65 : memref<128x128xf32, #tpu.memory_space<vmem>>) offsets(%dma_start3A_68 : memref<128xi32, #tpu.memory_space<vmem>>) semaphore(%arg19 : memref<!tpu.dma_semaphore, #tpu.memory_space<semaphore_mem>>)
    %dma_start3A_72 = arith.constant 1 : i32
    %dma_start3A_73 = arith.constant 1 : i32
    %dma_start3A_74 = arith.constant 0 : i32
    %dma_start3A_75 = arith.constant 0 : i32
    %dma_start3A_76 = tpu.memref_slice %arg16[%dma_start3A_73, %dma_start3A_74, %dma_start3A_75] : memref<2x128x128xf32, #tpu.memory_space<vmem>> -> memref<1x128x128xf32, #tpu.memory_space<vmem>>
    %dma_start3A_77 = tpu.memref_squeeze %dma_start3A_76 : memref<1x128x128xf32, #tpu.memory_space<vmem>> -> memref<128x128xf32, #tpu.memory_space<vmem>>
    %dma_start3A_78 = arith.constant 0 : i32
    %dma_start3A_79 = tpu.memref_slice %arg13[%dma_start3A_72, %dma_start3A_78] : memref<4x128xi32, #tpu.memory_space<vmem>> -> memref<1x128xi32, #tpu.memory_space<vmem>>
    %dma_start3A_80 = tpu.memref_squeeze %dma_start3A_79 : memref<1x128xi32, #tpu.memory_space<vmem>> -> memref<128xi32, #tpu.memory_space<vmem>>
    %dma_start3A_81 = arith.constant 0 : i32
    %dma_start3A_82 = arith.constant 0 : i32
    %dma_start3A_83 = tpu.memref_slice %arg6[%dma_start3A_81, %dma_start3A_82] : memref<100000x128xf32, #tpu.memory_space<hbm>> -> memref<100000x128xf32, #tpu.memory_space<hbm>>
    tpu.enqueue_indirect_dma source(%dma_start3A_83 : memref<100000x128xf32, #tpu.memory_space<hbm>>) target(%dma_start3A_77 : memref<128x128xf32, #tpu.memory_space<vmem>>) offsets(%dma_start3A_80 : memref<128xi32, #tpu.memory_space<vmem>>) semaphore(%arg19 : memref<!tpu.dma_semaphore, #tpu.memory_space<semaphore_mem>>)
    %dma_start3A_84 = arith.constant 1 : i32
    %dma_start3A_85 = arith.constant 1 : i32
    %dma_start3A_86 = arith.constant 0 : i32
    %dma_start3A_87 = tpu.memref_slice %arg17[%dma_start3A_85, %dma_start3A_86] : memref<2x128xf32, #tpu.memory_space<vmem>> -> memref<1x128xf32, #tpu.memory_space<vmem>>
    %dma_start3A_88 = tpu.memref_squeeze %dma_start3A_87 : memref<1x128xf32, #tpu.memory_space<vmem>> -> memref<128xf32, #tpu.memory_space<vmem>>
    %dma_start3A_89 = arith.constant 0 : i32
    %dma_start3A_90 = tpu.memref_slice %arg13[%dma_start3A_84, %dma_start3A_89] : memref<4x128xi32, #tpu.memory_space<vmem>> -> memref<1x128xi32, #tpu.memory_space<vmem>>
    %dma_start3A_91 = tpu.memref_squeeze %dma_start3A_90 : memref<1x128xi32, #tpu.memory_space<vmem>> -> memref<128xi32, #tpu.memory_space<vmem>>
    %dma_start3A_92 = arith.constant 0 : i32
    %dma_start3A_93 = tpu.memref_slice %arg7[%dma_start3A_92] : memref<100000xf32, #tpu.memory_space<hbm>> -> memref<100000xf32, #tpu.memory_space<hbm>>
    tpu.enqueue_indirect_dma source(%dma_start3A_93 : memref<100000xf32, #tpu.memory_space<hbm>>) target(%dma_start3A_88 : memref<128xf32, #tpu.memory_space<vmem>>) offsets(%dma_start3A_91 : memref<128xi32, #tpu.memory_space<vmem>>) semaphore(%arg19 : memref<!tpu.dma_semaphore, #tpu.memory_space<semaphore_mem>>)
    %dma_wait3A = arith.constant 0 : i32
    %dma_wait3A_94 = arith.constant 0 : i32
    %dma_wait3A_95 = arith.constant 0 : i32
    %dma_wait3A_96 = arith.constant 0 : i32
    %dma_wait3A_97 = tpu.memref_slice %arg14[%dma_wait3A_94, %dma_wait3A_95, %dma_wait3A_96] : memref<2x128x128xf32, #tpu.memory_space<vmem>> -> memref<1x128x128xf32, #tpu.memory_space<vmem>>
    %dma_wait3A_98 = tpu.memref_squeeze %dma_wait3A_97 : memref<1x128x128xf32, #tpu.memory_space<vmem>> -> memref<128x128xf32, #tpu.memory_space<vmem>>
    %dma_wait3A_99 = arith.constant 0 : i32
    %dma_wait3A_100 = tpu.memref_slice %arg12[%dma_wait3A, %dma_wait3A_99] : memref<4x128xi32, #tpu.memory_space<vmem>> -> memref<1x128xi32, #tpu.memory_space<vmem>>
    %dma_wait3A_101 = tpu.memref_squeeze %dma_wait3A_100 : memref<1x128xi32, #tpu.memory_space<vmem>> -> memref<128xi32, #tpu.memory_space<vmem>>
    %dma_wait3A_102 = arith.constant 0 : i32
    %dma_wait3A_103 = arith.constant 0 : i32
    %dma_wait3A_104 = tpu.memref_slice %arg4[%dma_wait3A_102, %dma_wait3A_103] : memref<100000x128xf32, #tpu.memory_space<hbm>> -> memref<100000x128xf32, #tpu.memory_space<hbm>>
    tpu.wait_indirect_dma semaphore(%arg18 : memref<!tpu.dma_semaphore, #tpu.memory_space<semaphore_mem>>) src(%dma_wait3A_104 : memref<100000x128xf32, #tpu.memory_space<hbm>>) dst(%dma_wait3A_98 : memref<128x128xf32, #tpu.memory_space<vmem>>)
    %dma_wait3A_105 = arith.constant 0 : i32
    %dma_wait3A_106 = arith.constant 0 : i32
    %dma_wait3A_107 = arith.constant 0 : i32
    %dma_wait3A_108 = arith.constant 0 : i32
    %dma_wait3A_109 = tpu.memref_slice %arg15[%dma_wait3A_106, %dma_wait3A_107, %dma_wait3A_108] : memref<2x128x128xf32, #tpu.memory_space<vmem>> -> memref<1x128x128xf32, #tpu.memory_space<vmem>>
    %dma_wait3A_110 = tpu.memref_squeeze %dma_wait3A_109 : memref<1x128x128xf32, #tpu.memory_space<vmem>> -> memref<128x128xf32, #tpu.memory_space<vmem>>
    %dma_wait3A_111 = arith.constant 0 : i32
    %dma_wait3A_112 = tpu.memref_slice %arg12[%dma_wait3A_105, %dma_wait3A_111] : memref<4x128xi32, #tpu.memory_space<vmem>> -> memref<1x128xi32, #tpu.memory_space<vmem>>
    %dma_wait3A_113 = tpu.memref_squeeze %dma_wait3A_112 : memref<1x128xi32, #tpu.memory_space<vmem>> -> memref<128xi32, #tpu.memory_space<vmem>>
    %dma_wait3A_114 = arith.constant 0 : i32
    %dma_wait3A_115 = arith.constant 0 : i32
    %dma_wait3A_116 = tpu.memref_slice %arg5[%dma_wait3A_114, %dma_wait3A_115] : memref<100000x128xf32, #tpu.memory_space<hbm>> -> memref<100000x128xf32, #tpu.memory_space<hbm>>
    tpu.wait_indirect_dma semaphore(%arg18 : memref<!tpu.dma_semaphore, #tpu.memory_space<semaphore_mem>>) src(%dma_wait3A_116 : memref<100000x128xf32, #tpu.memory_space<hbm>>) dst(%dma_wait3A_110 : memref<128x128xf32, #tpu.memory_space<vmem>>)
    %dma_wait3A_117 = arith.constant 0 : i32
    %dma_wait3A_118 = arith.constant 0 : i32
    %dma_wait3A_119 = arith.constant 0 : i32
    %dma_wait3A_120 = arith.constant 0 : i32
    %dma_wait3A_121 = tpu.memref_slice %arg16[%dma_wait3A_118, %dma_wait3A_119, %dma_wait3A_120] : memref<2x128x128xf32, #tpu.memory_space<vmem>> -> memref<1x128x128xf32, #tpu.memory_space<vmem>>
    %dma_wait3A_122 = tpu.memref_squeeze %dma_wait3A_121 : memref<1x128x128xf32, #tpu.memory_space<vmem>> -> memref<128x128xf32, #tpu.memory_space<vmem>>
    %dma_wait3A_123 = arith.constant 0 : i32
    %dma_wait3A_124 = tpu.memref_slice %arg13[%dma_wait3A_117, %dma_wait3A_123] : memref<4x128xi32, #tpu.memory_space<vmem>> -> memref<1x128xi32, #tpu.memory_space<vmem>>
    %dma_wait3A_125 = tpu.memref_squeeze %dma_wait3A_124 : memref<1x128xi32, #tpu.memory_space<vmem>> -> memref<128xi32, #tpu.memory_space<vmem>>
    %dma_wait3A_126 = arith.constant 0 : i32
    %dma_wait3A_127 = arith.constant 0 : i32
    %dma_wait3A_128 = tpu.memref_slice %arg6[%dma_wait3A_126, %dma_wait3A_127] : memref<100000x128xf32, #tpu.memory_space<hbm>> -> memref<100000x128xf32, #tpu.memory_space<hbm>>
    tpu.wait_indirect_dma semaphore(%arg18 : memref<!tpu.dma_semaphore, #tpu.memory_space<semaphore_mem>>) src(%dma_wait3A_128 : memref<100000x128xf32, #tpu.memory_space<hbm>>) dst(%dma_wait3A_122 : memref<128x128xf32, #tpu.memory_space<vmem>>)
    %dma_wait3A_129 = arith.constant 0 : i32
    %dma_wait3A_130 = arith.constant 0 : i32
    %dma_wait3A_131 = arith.constant 0 : i32
    %dma_wait3A_132 = tpu.memref_slice %arg17[%dma_wait3A_130, %dma_wait3A_131] : memref<2x128xf32, #tpu.memory_space<vmem>> -> memref<1x128xf32, #tpu.memory_space<vmem>>
    %dma_wait3A_133 = tpu.memref_squeeze %dma_wait3A_132 : memref<1x128xf32, #tpu.memory_space<vmem>> -> memref<128xf32, #tpu.memory_space<vmem>>
    %dma_wait3A_134 = arith.constant 0 : i32
    %dma_wait3A_135 = tpu.memref_slice %arg13[%dma_wait3A_129, %dma_wait3A_134] : memref<4x128xi32, #tpu.memory_space<vmem>> -> memref<1x128xi32, #tpu.memory_space<vmem>>
    %dma_wait3A_136 = tpu.memref_squeeze %dma_wait3A_135 : memref<1x128xi32, #tpu.memory_space<vmem>> -> memref<128xi32, #tpu.memory_space<vmem>>
    %dma_wait3A_137 = arith.constant 0 : i32
    %dma_wait3A_138 = tpu.memref_slice %arg7[%dma_wait3A_137] : memref<100000xf32, #tpu.memory_space<hbm>> -> memref<100000xf32, #tpu.memory_space<hbm>>
    tpu.wait_indirect_dma semaphore(%arg18 : memref<!tpu.dma_semaphore, #tpu.memory_space<semaphore_mem>>) src(%dma_wait3A_138 : memref<100000xf32, #tpu.memory_space<hbm>>) dst(%dma_wait3A_133 : memref<128xf32, #tpu.memory_space<vmem>>)
    %add3A_139 = arith.constant 0 : i32
    %add3A_140 = arith.addi %mul3A_2, %add3A_139 : i32
    %dma_start3A_141 = arith.constant 0 : i32
    %dma_start3A_142 = arith.constant 0 : i32
    %dma_start3A_143 = arith.constant 0 : i32
    %dma_start3A_144 = tpu.memref_slice %arg14[%dma_start3A_141, %dma_start3A_142, %dma_start3A_143] : memref<2x128x128xf32, #tpu.memory_space<vmem>> -> memref<1x128x128xf32, #tpu.memory_space<vmem>>
    %dma_start3A_145 = tpu.memref_squeeze %dma_start3A_144 : memref<1x128x128xf32, #tpu.memory_space<vmem>> -> memref<128x128xf32, #tpu.memory_space<vmem>>
    %dma_start3A_146 = arith.constant 0 : i32
    %dma_start3A_147 = tpu.memref_slice %arg8[%add3A_140, %dma_start3A_146] : memref<16384x128xf32, #tpu.memory_space<hbm>> -> memref<128x128xf32, #tpu.memory_space<hbm>>
    %dma_start3A_148 = arith.constant 0 : i32
    %dma_start3A_149 = tpu.memref_slice %arg8[%add3A_140, %dma_start3A_148] : memref<16384x128xf32, #tpu.memory_space<hbm>> -> memref<128x128xf32, #tpu.memory_space<hbm>>
    %dma_start3A_150 = arith.constant 0 : i32
    %dma_start3A_151 = arith.constant 0 : i32
    %dma_start3A_152 = tpu.memref_slice %arg14[%dma_start3A_141, %dma_start3A_150, %dma_start3A_151] : memref<2x128x128xf32, #tpu.memory_space<vmem>> -> memref<1x128x128xf32, #tpu.memory_space<vmem>>
    %dma_start3A_153 = tpu.memref_squeeze %dma_start3A_152 : memref<1x128x128xf32, #tpu.memory_space<vmem>> -> memref<128x128xf32, #tpu.memory_space<vmem>>
    tpu.enqueue_dma source(%dma_start3A_153 : memref<128x128xf32, #tpu.memory_space<vmem>>) target(%dma_start3A_149 : memref<128x128xf32, #tpu.memory_space<hbm>>) target_semaphore(%arg20 : memref<!tpu.dma_semaphore, #tpu.memory_space<semaphore_mem>>)
    %dma_start3A_154 = arith.constant 0 : i32
    %dma_start3A_155 = arith.constant 0 : i32
    %dma_start3A_156 = arith.constant 0 : i32
    %dma_start3A_157 = tpu.memref_slice %arg15[%dma_start3A_154, %dma_start3A_155, %dma_start3A_156] : memref<2x128x128xf32, #tpu.memory_space<vmem>> -> memref<1x128x128xf32, #tpu.memory_space<vmem>>
    %dma_start3A_158 = tpu.memref_squeeze %dma_start3A_157 : memref<1x128x128xf32, #tpu.memory_space<vmem>> -> memref<128x128xf32, #tpu.memory_space<vmem>>
    %dma_start3A_159 = arith.constant 0 : i32
    %dma_start3A_160 = tpu.memref_slice %arg9[%add3A_140, %dma_start3A_159] : memref<16384x128xf32, #tpu.memory_space<hbm>> -> memref<128x128xf32, #tpu.memory_space<hbm>>
    %dma_start3A_161 = arith.constant 0 : i32
    %dma_start3A_162 = tpu.memref_slice %arg9[%add3A_140, %dma_start3A_161] : memref<16384x128xf32, #tpu.memory_space<hbm>> -> memref<128x128xf32, #tpu.memory_space<hbm>>
    %dma_start3A_163 = arith.constant 0 : i32
    %dma_start3A_164 = arith.constant 0 : i32
    %dma_start3A_165 = tpu.memref_slice %arg15[%dma_start3A_154, %dma_start3A_163, %dma_start3A_164] : memref<2x128x128xf32, #tpu.memory_space<vmem>> -> memref<1x128x128xf32, #tpu.memory_space<vmem>>
    %dma_start3A_166 = tpu.memref_squeeze %dma_start3A_165 : memref<1x128x128xf32, #tpu.memory_space<vmem>> -> memref<128x128xf32, #tpu.memory_space<vmem>>
    tpu.enqueue_dma source(%dma_start3A_166 : memref<128x128xf32, #tpu.memory_space<vmem>>) target(%dma_start3A_162 : memref<128x128xf32, #tpu.memory_space<hbm>>) target_semaphore(%arg20 : memref<!tpu.dma_semaphore, #tpu.memory_space<semaphore_mem>>)
    %dma_start3A_167 = arith.constant 0 : i32
    %dma_start3A_168 = arith.constant 0 : i32
    %dma_start3A_169 = arith.constant 0 : i32
    %dma_start3A_170 = tpu.memref_slice %arg16[%dma_start3A_167, %dma_start3A_168, %dma_start3A_169] : memref<2x128x128xf32, #tpu.memory_space<vmem>> -> memref<1x128x128xf32, #tpu.memory_space<vmem>>
    %dma_start3A_171 = tpu.memref_squeeze %dma_start3A_170 : memref<1x128x128xf32, #tpu.memory_space<vmem>> -> memref<128x128xf32, #tpu.memory_space<vmem>>
    %dma_start3A_172 = arith.constant 0 : i32
    %dma_start3A_173 = tpu.memref_slice %arg10[%add3A_140, %dma_start3A_172] : memref<16384x128xf32, #tpu.memory_space<hbm>> -> memref<128x128xf32, #tpu.memory_space<hbm>>
    %dma_start3A_174 = arith.constant 0 : i32
    %dma_start3A_175 = tpu.memref_slice %arg10[%add3A_140, %dma_start3A_174] : memref<16384x128xf32, #tpu.memory_space<hbm>> -> memref<128x128xf32, #tpu.memory_space<hbm>>
    %dma_start3A_176 = arith.constant 0 : i32
    %dma_start3A_177 = arith.constant 0 : i32
    %dma_start3A_178 = tpu.memref_slice %arg16[%dma_start3A_167, %dma_start3A_176, %dma_start3A_177] : memref<2x128x128xf32, #tpu.memory_space<vmem>> -> memref<1x128x128xf32, #tpu.memory_space<vmem>>
    %dma_start3A_179 = tpu.memref_squeeze %dma_start3A_178 : memref<1x128x128xf32, #tpu.memory_space<vmem>> -> memref<128x128xf32, #tpu.memory_space<vmem>>
    tpu.enqueue_dma source(%dma_start3A_179 : memref<128x128xf32, #tpu.memory_space<vmem>>) target(%dma_start3A_175 : memref<128x128xf32, #tpu.memory_space<hbm>>) target_semaphore(%arg20 : memref<!tpu.dma_semaphore, #tpu.memory_space<semaphore_mem>>)
    %dma_start3A_180 = arith.constant 0 : i32
    %dma_start3A_181 = arith.constant 0 : i32
    %dma_start3A_182 = tpu.memref_slice %arg17[%dma_start3A_180, %dma_start3A_181] : memref<2x128xf32, #tpu.memory_space<vmem>> -> memref<1x128xf32, #tpu.memory_space<vmem>>
    %dma_start3A_183 = tpu.memref_squeeze %dma_start3A_182 : memref<1x128xf32, #tpu.memory_space<vmem>> -> memref<128xf32, #tpu.memory_space<vmem>>
    %dma_start3A_184 = tpu.memref_slice %arg11[%add3A_140] : memref<16384xf32, #tpu.memory_space<hbm>> -> memref<128xf32, #tpu.memory_space<hbm>>
    %dma_start3A_185 = tpu.memref_slice %arg11[%add3A_140] : memref<16384xf32, #tpu.memory_space<hbm>> -> memref<128xf32, #tpu.memory_space<hbm>>
    %dma_start3A_186 = arith.constant 0 : i32
    %dma_start3A_187 = tpu.memref_slice %arg17[%dma_start3A_180, %dma_start3A_186] : memref<2x128xf32, #tpu.memory_space<vmem>> -> memref<1x128xf32, #tpu.memory_space<vmem>>
    %dma_start3A_188 = tpu.memref_squeeze %dma_start3A_187 : memref<1x128xf32, #tpu.memory_space<vmem>> -> memref<128xf32, #tpu.memory_space<vmem>>
    tpu.enqueue_dma source(%dma_start3A_188 : memref<128xf32, #tpu.memory_space<vmem>>) target(%dma_start3A_185 : memref<128xf32, #tpu.memory_space<hbm>>) target_semaphore(%arg20 : memref<!tpu.dma_semaphore, #tpu.memory_space<semaphore_mem>>)
    %dma_wait3A_189 = arith.constant 0 : i32
    %dma_wait3A_190 = arith.constant 0 : i32
    %dma_wait3A_191 = arith.constant 0 : i32
    %dma_wait3A_192 = tpu.memref_slice %arg14[%dma_wait3A_189, %dma_wait3A_190, %dma_wait3A_191] : memref<2x128x128xf32, #tpu.memory_space<vmem>> -> memref<1x128x128xf32, #tpu.memory_space<vmem>>
    %dma_wait3A_193 = tpu.memref_squeeze %dma_wait3A_192 : memref<1x128x128xf32, #tpu.memory_space<vmem>> -> memref<128x128xf32, #tpu.memory_space<vmem>>
    %dma_wait3A_194 = arith.constant 0 : i32
    %dma_wait3A_195 = tpu.memref_slice %arg8[%add3A_140, %dma_wait3A_194] : memref<16384x128xf32, #tpu.memory_space<hbm>> -> memref<128x128xf32, #tpu.memory_space<hbm>>
    %dma_wait3A_196 = arith.constant 0 : i32
    %dma_wait3A_197 = tpu.memref_slice %arg8[%add3A_140, %dma_wait3A_196] : memref<16384x128xf32, #tpu.memory_space<hbm>> -> memref<128x128xf32, #tpu.memory_space<hbm>>
    %dma_wait3A_198 = arith.constant 0 : i32
    %dma_wait3A_199 = arith.constant 0 : i32
    %dma_wait3A_200 = tpu.memref_slice %arg14[%dma_wait3A_189, %dma_wait3A_198, %dma_wait3A_199] : memref<2x128x128xf32, #tpu.memory_space<vmem>> -> memref<1x128x128xf32, #tpu.memory_space<vmem>>
    %dma_wait3A_201 = tpu.memref_squeeze %dma_wait3A_200 : memref<1x128x128xf32, #tpu.memory_space<vmem>> -> memref<128x128xf32, #tpu.memory_space<vmem>>
    tpu.wait_dma2 semaphore(%arg20 : memref<!tpu.dma_semaphore, #tpu.memory_space<semaphore_mem>>) src(%dma_wait3A_201 : memref<128x128xf32, #tpu.memory_space<vmem>>) dst(%dma_wait3A_197 : memref<128x128xf32, #tpu.memory_space<hbm>>)
    %dma_wait3A_202 = arith.constant 0 : i32
    %dma_wait3A_203 = arith.constant 0 : i32
    %dma_wait3A_204 = arith.constant 0 : i32
    %dma_wait3A_205 = tpu.memref_slice %arg15[%dma_wait3A_202, %dma_wait3A_203, %dma_wait3A_204] : memref<2x128x128xf32, #tpu.memory_space<vmem>> -> memref<1x128x128xf32, #tpu.memory_space<vmem>>
    %dma_wait3A_206 = tpu.memref_squeeze %dma_wait3A_205 : memref<1x128x128xf32, #tpu.memory_space<vmem>> -> memref<128x128xf32, #tpu.memory_space<vmem>>
    %dma_wait3A_207 = arith.constant 0 : i32
    %dma_wait3A_208 = tpu.memref_slice %arg9[%add3A_140, %dma_wait3A_207] : memref<16384x128xf32, #tpu.memory_space<hbm>> -> memref<128x128xf32, #tpu.memory_space<hbm>>
    %dma_wait3A_209 = arith.constant 0 : i32
    %dma_wait3A_210 = tpu.memref_slice %arg9[%add3A_140, %dma_wait3A_209] : memref<16384x128xf32, #tpu.memory_space<hbm>> -> memref<128x128xf32, #tpu.memory_space<hbm>>
    %dma_wait3A_211 = arith.constant 0 : i32
    %dma_wait3A_212 = arith.constant 0 : i32
    %dma_wait3A_213 = tpu.memref_slice %arg15[%dma_wait3A_202, %dma_wait3A_211, %dma_wait3A_212] : memref<2x128x128xf32, #tpu.memory_space<vmem>> -> memref<1x128x128xf32, #tpu.memory_space<vmem>>
    %dma_wait3A_214 = tpu.memref_squeeze %dma_wait3A_213 : memref<1x128x128xf32, #tpu.memory_space<vmem>> -> memref<128x128xf32, #tpu.memory_space<vmem>>
    tpu.wait_dma2 semaphore(%arg20 : memref<!tpu.dma_semaphore, #tpu.memory_space<semaphore_mem>>) src(%dma_wait3A_214 : memref<128x128xf32, #tpu.memory_space<vmem>>) dst(%dma_wait3A_210 : memref<128x128xf32, #tpu.memory_space<hbm>>)
    %dma_wait3A_215 = arith.constant 0 : i32
    %dma_wait3A_216 = arith.constant 0 : i32
    %dma_wait3A_217 = arith.constant 0 : i32
    %dma_wait3A_218 = tpu.memref_slice %arg16[%dma_wait3A_215, %dma_wait3A_216, %dma_wait3A_217] : memref<2x128x128xf32, #tpu.memory_space<vmem>> -> memref<1x128x128xf32, #tpu.memory_space<vmem>>
    %dma_wait3A_219 = tpu.memref_squeeze %dma_wait3A_218 : memref<1x128x128xf32, #tpu.memory_space<vmem>> -> memref<128x128xf32, #tpu.memory_space<vmem>>
    %dma_wait3A_220 = arith.constant 0 : i32
    %dma_wait3A_221 = tpu.memref_slice %arg10[%add3A_140, %dma_wait3A_220] : memref<16384x128xf32, #tpu.memory_space<hbm>> -> memref<128x128xf32, #tpu.memory_space<hbm>>
    %dma_wait3A_222 = arith.constant 0 : i32
    %dma_wait3A_223 = tpu.memref_slice %arg10[%add3A_140, %dma_wait3A_222] : memref<16384x128xf32, #tpu.memory_space<hbm>> -> memref<128x128xf32, #tpu.memory_space<hbm>>
    %dma_wait3A_224 = arith.constant 0 : i32
    %dma_wait3A_225 = arith.constant 0 : i32
    %dma_wait3A_226 = tpu.memref_slice %arg16[%dma_wait3A_215, %dma_wait3A_224, %dma_wait3A_225] : memref<2x128x128xf32, #tpu.memory_space<vmem>> -> memref<1x128x128xf32, #tpu.memory_space<vmem>>
    %dma_wait3A_227 = tpu.memref_squeeze %dma_wait3A_226 : memref<1x128x128xf32, #tpu.memory_space<vmem>> -> memref<128x128xf32, #tpu.memory_space<vmem>>
    tpu.wait_dma2 semaphore(%arg20 : memref<!tpu.dma_semaphore, #tpu.memory_space<semaphore_mem>>) src(%dma_wait3A_227 : memref<128x128xf32, #tpu.memory_space<vmem>>) dst(%dma_wait3A_223 : memref<128x128xf32, #tpu.memory_space<hbm>>)
    %dma_wait3A_228 = arith.constant 0 : i32
    %dma_wait3A_229 = arith.constant 0 : i32
    %dma_wait3A_230 = tpu.memref_slice %arg17[%dma_wait3A_228, %dma_wait3A_229] : memref<2x128xf32, #tpu.memory_space<vmem>> -> memref<1x128xf32, #tpu.memory_space<vmem>>
    %dma_wait3A_231 = tpu.memref_squeeze %dma_wait3A_230 : memref<1x128xf32, #tpu.memory_space<vmem>> -> memref<128xf32, #tpu.memory_space<vmem>>
    %dma_wait3A_232 = tpu.memref_slice %arg11[%add3A_140] : memref<16384xf32, #tpu.memory_space<hbm>> -> memref<128xf32, #tpu.memory_space<hbm>>
    %dma_wait3A_233 = tpu.memref_slice %arg11[%add3A_140] : memref<16384xf32, #tpu.memory_space<hbm>> -> memref<128xf32, #tpu.memory_space<hbm>>
    %dma_wait3A_234 = arith.constant 0 : i32
    %dma_wait3A_235 = tpu.memref_slice %arg17[%dma_wait3A_228, %dma_wait3A_234] : memref<2x128xf32, #tpu.memory_space<vmem>> -> memref<1x128xf32, #tpu.memory_space<vmem>>
    %dma_wait3A_236 = tpu.memref_squeeze %dma_wait3A_235 : memref<1x128xf32, #tpu.memory_space<vmem>> -> memref<128xf32, #tpu.memory_space<vmem>>
    tpu.wait_dma2 semaphore(%arg20 : memref<!tpu.dma_semaphore, #tpu.memory_space<semaphore_mem>>) src(%dma_wait3A_236 : memref<128xf32, #tpu.memory_space<vmem>>) dst(%dma_wait3A_233 : memref<128xf32, #tpu.memory_space<hbm>>)
    %dma_start3A_237 = arith.constant 2 : i32
    %dma_start3A_238 = arith.constant 0 : i32
    %dma_start3A_239 = arith.constant 0 : i32
    %dma_start3A_240 = arith.constant 0 : i32
    %dma_start3A_241 = tpu.memref_slice %arg14[%dma_start3A_238, %dma_start3A_239, %dma_start3A_240] : memref<2x128x128xf32, #tpu.memory_space<vmem>> -> memref<1x128x128xf32, #tpu.memory_space<vmem>>
    %dma_start3A_242 = tpu.memref_squeeze %dma_start3A_241 : memref<1x128x128xf32, #tpu.memory_space<vmem>> -> memref<128x128xf32, #tpu.memory_space<vmem>>
    %dma_start3A_243 = arith.constant 0 : i32
    %dma_start3A_244 = tpu.memref_slice %arg12[%dma_start3A_237, %dma_start3A_243] : memref<4x128xi32, #tpu.memory_space<vmem>> -> memref<1x128xi32, #tpu.memory_space<vmem>>
    %dma_start3A_245 = tpu.memref_squeeze %dma_start3A_244 : memref<1x128xi32, #tpu.memory_space<vmem>> -> memref<128xi32, #tpu.memory_space<vmem>>
    %dma_start3A_246 = arith.constant 0 : i32
    %dma_start3A_247 = arith.constant 0 : i32
    %dma_start3A_248 = tpu.memref_slice %arg4[%dma_start3A_246, %dma_start3A_247] : memref<100000x128xf32, #tpu.memory_space<hbm>> -> memref<100000x128xf32, #tpu.memory_space<hbm>>
    tpu.enqueue_indirect_dma source(%dma_start3A_248 : memref<100000x128xf32, #tpu.memory_space<hbm>>) target(%dma_start3A_242 : memref<128x128xf32, #tpu.memory_space<vmem>>) offsets(%dma_start3A_245 : memref<128xi32, #tpu.memory_space<vmem>>) semaphore(%arg18 : memref<!tpu.dma_semaphore, #tpu.memory_space<semaphore_mem>>)
    %dma_start3A_249 = arith.constant 2 : i32
    %dma_start3A_250 = arith.constant 0 : i32
    %dma_start3A_251 = arith.constant 0 : i32
    %dma_start3A_252 = arith.constant 0 : i32
    %dma_start3A_253 = tpu.memref_slice %arg15[%dma_start3A_250, %dma_start3A_251, %dma_start3A_252] : memref<2x128x128xf32, #tpu.memory_space<vmem>> -> memref<1x128x128xf32, #tpu.memory_space<vmem>>
    %dma_start3A_254 = tpu.memref_squeeze %dma_start3A_253 : memref<1x128x128xf32, #tpu.memory_space<vmem>> -> memref<128x128xf32, #tpu.memory_space<vmem>>
    %dma_start3A_255 = arith.constant 0 : i32
    %dma_start3A_256 = tpu.memref_slice %arg12[%dma_start3A_249, %dma_start3A_255] : memref<4x128xi32, #tpu.memory_space<vmem>> -> memref<1x128xi32, #tpu.memory_space<vmem>>
    %dma_start3A_257 = tpu.memref_squeeze %dma_start3A_256 : memref<1x128xi32, #tpu.memory_space<vmem>> -> memref<128xi32, #tpu.memory_space<vmem>>
    %dma_start3A_258 = arith.constant 0 : i32
    %dma_start3A_259 = arith.constant 0 : i32
    %dma_start3A_260 = tpu.memref_slice %arg5[%dma_start3A_258, %dma_start3A_259] : memref<100000x128xf32, #tpu.memory_space<hbm>> -> memref<100000x128xf32, #tpu.memory_space<hbm>>
    tpu.enqueue_indirect_dma source(%dma_start3A_260 : memref<100000x128xf32, #tpu.memory_space<hbm>>) target(%dma_start3A_254 : memref<128x128xf32, #tpu.memory_space<vmem>>) offsets(%dma_start3A_257 : memref<128xi32, #tpu.memory_space<vmem>>) semaphore(%arg18 : memref<!tpu.dma_semaphore, #tpu.memory_space<semaphore_mem>>)
    %dma_start3A_261 = arith.constant 2 : i32
    %dma_start3A_262 = arith.constant 0 : i32
    %dma_start3A_263 = arith.constant 0 : i32
    %dma_start3A_264 = arith.constant 0 : i32
    %dma_start3A_265 = tpu.memref_slice %arg16[%dma_start3A_262, %dma_start3A_263, %dma_start3A_264] : memref<2x128x128xf32, #tpu.memory_space<vmem>> -> memref<1x128x128xf32, #tpu.memory_space<vmem>>
    %dma_start3A_266 = tpu.memref_squeeze %dma_start3A_265 : memref<1x128x128xf32, #tpu.memory_space<vmem>> -> memref<128x128xf32, #tpu.memory_space<vmem>>
    %dma_start3A_267 = arith.constant 0 : i32
    %dma_start3A_268 = tpu.memref_slice %arg13[%dma_start3A_261, %dma_start3A_267] : memref<4x128xi32, #tpu.memory_space<vmem>> -> memref<1x128xi32, #tpu.memory_space<vmem>>
    %dma_start3A_269 = tpu.memref_squeeze %dma_start3A_268 : memref<1x128xi32, #tpu.memory_space<vmem>> -> memref<128xi32, #tpu.memory_space<vmem>>
    %dma_start3A_270 = arith.constant 0 : i32
    %dma_start3A_271 = arith.constant 0 : i32
    %dma_start3A_272 = tpu.memref_slice %arg6[%dma_start3A_270, %dma_start3A_271] : memref<100000x128xf32, #tpu.memory_space<hbm>> -> memref<100000x128xf32, #tpu.memory_space<hbm>>
    tpu.enqueue_indirect_dma source(%dma_start3A_272 : memref<100000x128xf32, #tpu.memory_space<hbm>>) target(%dma_start3A_266 : memref<128x128xf32, #tpu.memory_space<vmem>>) offsets(%dma_start3A_269 : memref<128xi32, #tpu.memory_space<vmem>>) semaphore(%arg18 : memref<!tpu.dma_semaphore, #tpu.memory_space<semaphore_mem>>)
    %dma_start3A_273 = arith.constant 2 : i32
    %dma_start3A_274 = arith.constant 0 : i32
    %dma_start3A_275 = arith.constant 0 : i32
    %dma_start3A_276 = tpu.memref_slice %arg17[%dma_start3A_274, %dma_start3A_275] : memref<2x128xf32, #tpu.memory_space<vmem>> -> memref<1x128xf32, #tpu.memory_space<vmem>>
    %dma_start3A_277 = tpu.memref_squeeze %dma_start3A_276 : memref<1x128xf32, #tpu.memory_space<vmem>> -> memref<128xf32, #tpu.memory_space<vmem>>
    %dma_start3A_278 = arith.constant 0 : i32
    %dma_start3A_279 = tpu.memref_slice %arg13[%dma_start3A_273, %dma_start3A_278] : memref<4x128xi32, #tpu.memory_space<vmem>> -> memref<1x128xi32, #tpu.memory_space<vmem>>
    %dma_start3A_280 = tpu.memref_squeeze %dma_start3A_279 : memref<1x128xi32, #tpu.memory_space<vmem>> -> memref<128xi32, #tpu.memory_space<vmem>>
    %dma_start3A_281 = arith.constant 0 : i32
    %dma_start3A_282 = tpu.memref_slice %arg7[%dma_start3A_281] : memref<100000xf32, #tpu.memory_space<hbm>> -> memref<100000xf32, #tpu.memory_space<hbm>>
    tpu.enqueue_indirect_dma source(%dma_start3A_282 : memref<100000xf32, #tpu.memory_space<hbm>>) target(%dma_start3A_277 : memref<128xf32, #tpu.memory_space<vmem>>) offsets(%dma_start3A_280 : memref<128xi32, #tpu.memory_space<vmem>>) semaphore(%arg18 : memref<!tpu.dma_semaphore, #tpu.memory_space<semaphore_mem>>)
    %dma_wait3A_283 = arith.constant 1 : i32
    %dma_wait3A_284 = arith.constant 1 : i32
    %dma_wait3A_285 = arith.constant 0 : i32
    %dma_wait3A_286 = arith.constant 0 : i32
    %dma_wait3A_287 = tpu.memref_slice %arg14[%dma_wait3A_284, %dma_wait3A_285, %dma_wait3A_286] : memref<2x128x128xf32, #tpu.memory_space<vmem>> -> memref<1x128x128xf32, #tpu.memory_space<vmem>>
    %dma_wait3A_288 = tpu.memref_squeeze %dma_wait3A_287 : memref<1x128x128xf32, #tpu.memory_space<vmem>> -> memref<128x128xf32, #tpu.memory_space<vmem>>
    %dma_wait3A_289 = arith.constant 0 : i32
    %dma_wait3A_290 = tpu.memref_slice %arg12[%dma_wait3A_283, %dma_wait3A_289] : memref<4x128xi32, #tpu.memory_space<vmem>> -> memref<1x128xi32, #tpu.memory_space<vmem>>
    %dma_wait3A_291 = tpu.memref_squeeze %dma_wait3A_290 : memref<1x128xi32, #tpu.memory_space<vmem>> -> memref<128xi32, #tpu.memory_space<vmem>>
    %dma_wait3A_292 = arith.constant 0 : i32
    %dma_wait3A_293 = arith.constant 0 : i32
    %dma_wait3A_294 = tpu.memref_slice %arg4[%dma_wait3A_292, %dma_wait3A_293] : memref<100000x128xf32, #tpu.memory_space<hbm>> -> memref<100000x128xf32, #tpu.memory_space<hbm>>
    tpu.wait_indirect_dma semaphore(%arg19 : memref<!tpu.dma_semaphore, #tpu.memory_space<semaphore_mem>>) src(%dma_wait3A_294 : memref<100000x128xf32, #tpu.memory_space<hbm>>) dst(%dma_wait3A_288 : memref<128x128xf32, #tpu.memory_space<vmem>>)
    %dma_wait3A_295 = arith.constant 1 : i32
    %dma_wait3A_296 = arith.constant 1 : i32
    %dma_wait3A_297 = arith.constant 0 : i32
    %dma_wait3A_298 = arith.constant 0 : i32
    %dma_wait3A_299 = tpu.memref_slice %arg15[%dma_wait3A_296, %dma_wait3A_297, %dma_wait3A_298] : memref<2x128x128xf32, #tpu.memory_space<vmem>> -> memref<1x128x128xf32, #tpu.memory_space<vmem>>
    %dma_wait3A_300 = tpu.memref_squeeze %dma_wait3A_299 : memref<1x128x128xf32, #tpu.memory_space<vmem>> -> memref<128x128xf32, #tpu.memory_space<vmem>>
    %dma_wait3A_301 = arith.constant 0 : i32
    %dma_wait3A_302 = tpu.memref_slice %arg12[%dma_wait3A_295, %dma_wait3A_301] : memref<4x128xi32, #tpu.memory_space<vmem>> -> memref<1x128xi32, #tpu.memory_space<vmem>>
    %dma_wait3A_303 = tpu.memref_squeeze %dma_wait3A_302 : memref<1x128xi32, #tpu.memory_space<vmem>> -> memref<128xi32, #tpu.memory_space<vmem>>
    %dma_wait3A_304 = arith.constant 0 : i32
    %dma_wait3A_305 = arith.constant 0 : i32
    %dma_wait3A_306 = tpu.memref_slice %arg5[%dma_wait3A_304, %dma_wait3A_305] : memref<100000x128xf32, #tpu.memory_space<hbm>> -> memref<100000x128xf32, #tpu.memory_space<hbm>>
    tpu.wait_indirect_dma semaphore(%arg19 : memref<!tpu.dma_semaphore, #tpu.memory_space<semaphore_mem>>) src(%dma_wait3A_306 : memref<100000x128xf32, #tpu.memory_space<hbm>>) dst(%dma_wait3A_300 : memref<128x128xf32, #tpu.memory_space<vmem>>)
    %dma_wait3A_307 = arith.constant 1 : i32
    %dma_wait3A_308 = arith.constant 1 : i32
    %dma_wait3A_309 = arith.constant 0 : i32
    %dma_wait3A_310 = arith.constant 0 : i32
    %dma_wait3A_311 = tpu.memref_slice %arg16[%dma_wait3A_308, %dma_wait3A_309, %dma_wait3A_310] : memref<2x128x128xf32, #tpu.memory_space<vmem>> -> memref<1x128x128xf32, #tpu.memory_space<vmem>>
    %dma_wait3A_312 = tpu.memref_squeeze %dma_wait3A_311 : memref<1x128x128xf32, #tpu.memory_space<vmem>> -> memref<128x128xf32, #tpu.memory_space<vmem>>
    %dma_wait3A_313 = arith.constant 0 : i32
    %dma_wait3A_314 = tpu.memref_slice %arg13[%dma_wait3A_307, %dma_wait3A_313] : memref<4x128xi32, #tpu.memory_space<vmem>> -> memref<1x128xi32, #tpu.memory_space<vmem>>
    %dma_wait3A_315 = tpu.memref_squeeze %dma_wait3A_314 : memref<1x128xi32, #tpu.memory_space<vmem>> -> memref<128xi32, #tpu.memory_space<vmem>>
    %dma_wait3A_316 = arith.constant 0 : i32
    %dma_wait3A_317 = arith.constant 0 : i32
    %dma_wait3A_318 = tpu.memref_slice %arg6[%dma_wait3A_316, %dma_wait3A_317] : memref<100000x128xf32, #tpu.memory_space<hbm>> -> memref<100000x128xf32, #tpu.memory_space<hbm>>
    tpu.wait_indirect_dma semaphore(%arg19 : memref<!tpu.dma_semaphore, #tpu.memory_space<semaphore_mem>>) src(%dma_wait3A_318 : memref<100000x128xf32, #tpu.memory_space<hbm>>) dst(%dma_wait3A_312 : memref<128x128xf32, #tpu.memory_space<vmem>>)
    %dma_wait3A_319 = arith.constant 1 : i32
    %dma_wait3A_320 = arith.constant 1 : i32
    %dma_wait3A_321 = arith.constant 0 : i32
    %dma_wait3A_322 = tpu.memref_slice %arg17[%dma_wait3A_320, %dma_wait3A_321] : memref<2x128xf32, #tpu.memory_space<vmem>> -> memref<1x128xf32, #tpu.memory_space<vmem>>
    %dma_wait3A_323 = tpu.memref_squeeze %dma_wait3A_322 : memref<1x128xf32, #tpu.memory_space<vmem>> -> memref<128xf32, #tpu.memory_space<vmem>>
    %dma_wait3A_324 = arith.constant 0 : i32
    %dma_wait3A_325 = tpu.memref_slice %arg13[%dma_wait3A_319, %dma_wait3A_324] : memref<4x128xi32, #tpu.memory_space<vmem>> -> memref<1x128xi32, #tpu.memory_space<vmem>>
    %dma_wait3A_326 = tpu.memref_squeeze %dma_wait3A_325 : memref<1x128xi32, #tpu.memory_space<vmem>> -> memref<128xi32, #tpu.memory_space<vmem>>
    %dma_wait3A_327 = arith.constant 0 : i32
    %dma_wait3A_328 = tpu.memref_slice %arg7[%dma_wait3A_327] : memref<100000xf32, #tpu.memory_space<hbm>> -> memref<100000xf32, #tpu.memory_space<hbm>>
    tpu.wait_indirect_dma semaphore(%arg19 : memref<!tpu.dma_semaphore, #tpu.memory_space<semaphore_mem>>) src(%dma_wait3A_328 : memref<100000xf32, #tpu.memory_space<hbm>>) dst(%dma_wait3A_323 : memref<128xf32, #tpu.memory_space<vmem>>)
    %add3A_329 = arith.constant 128 : i32
    %add3A_330 = arith.addi %mul3A_2, %add3A_329 : i32
    %dma_start3A_331 = arith.constant 1 : i32
    %dma_start3A_332 = arith.constant 0 : i32
    %dma_start3A_333 = arith.constant 0 : i32
    %dma_start3A_334 = tpu.memref_slice %arg14[%dma_start3A_331, %dma_start3A_332, %dma_start3A_333] : memref<2x128x128xf32, #tpu.memory_space<vmem>> -> memref<1x128x128xf32, #tpu.memory_space<vmem>>
    %dma_start3A_335 = tpu.memref_squeeze %dma_start3A_334 : memref<1x128x128xf32, #tpu.memory_space<vmem>> -> memref<128x128xf32, #tpu.memory_space<vmem>>
    %dma_start3A_336 = arith.constant 0 : i32
    %dma_start3A_337 = tpu.memref_slice %arg8[%add3A_330, %dma_start3A_336] : memref<16384x128xf32, #tpu.memory_space<hbm>> -> memref<128x128xf32, #tpu.memory_space<hbm>>
    %dma_start3A_338 = arith.constant 0 : i32
    %dma_start3A_339 = tpu.memref_slice %arg8[%add3A_330, %dma_start3A_338] : memref<16384x128xf32, #tpu.memory_space<hbm>> -> memref<128x128xf32, #tpu.memory_space<hbm>>
    %dma_start3A_340 = arith.constant 0 : i32
    %dma_start3A_341 = arith.constant 0 : i32
    %dma_start3A_342 = tpu.memref_slice %arg14[%dma_start3A_331, %dma_start3A_340, %dma_start3A_341] : memref<2x128x128xf32, #tpu.memory_space<vmem>> -> memref<1x128x128xf32, #tpu.memory_space<vmem>>
    %dma_start3A_343 = tpu.memref_squeeze %dma_start3A_342 : memref<1x128x128xf32, #tpu.memory_space<vmem>> -> memref<128x128xf32, #tpu.memory_space<vmem>>
    tpu.enqueue_dma source(%dma_start3A_343 : memref<128x128xf32, #tpu.memory_space<vmem>>) target(%dma_start3A_339 : memref<128x128xf32, #tpu.memory_space<hbm>>) target_semaphore(%arg21 : memref<!tpu.dma_semaphore, #tpu.memory_space<semaphore_mem>>)
    %dma_start3A_344 = arith.constant 1 : i32
    %dma_start3A_345 = arith.constant 0 : i32
    %dma_start3A_346 = arith.constant 0 : i32
    %dma_start3A_347 = tpu.memref_slice %arg15[%dma_start3A_344, %dma_start3A_345, %dma_start3A_346] : memref<2x128x128xf32, #tpu.memory_space<vmem>> -> memref<1x128x128xf32, #tpu.memory_space<vmem>>
    %dma_start3A_348 = tpu.memref_squeeze %dma_start3A_347 : memref<1x128x128xf32, #tpu.memory_space<vmem>> -> memref<128x128xf32, #tpu.memory_space<vmem>>
    %dma_start3A_349 = arith.constant 0 : i32
    %dma_start3A_350 = tpu.memref_slice %arg9[%add3A_330, %dma_start3A_349] : memref<16384x128xf32, #tpu.memory_space<hbm>> -> memref<128x128xf32, #tpu.memory_space<hbm>>
    %dma_start3A_351 = arith.constant 0 : i32
    %dma_start3A_352 = tpu.memref_slice %arg9[%add3A_330, %dma_start3A_351] : memref<16384x128xf32, #tpu.memory_space<hbm>> -> memref<128x128xf32, #tpu.memory_space<hbm>>
    %dma_start3A_353 = arith.constant 0 : i32
    %dma_start3A_354 = arith.constant 0 : i32
    %dma_start3A_355 = tpu.memref_slice %arg15[%dma_start3A_344, %dma_start3A_353, %dma_start3A_354] : memref<2x128x128xf32, #tpu.memory_space<vmem>> -> memref<1x128x128xf32, #tpu.memory_space<vmem>>
    %dma_start3A_356 = tpu.memref_squeeze %dma_start3A_355 : memref<1x128x128xf32, #tpu.memory_space<vmem>> -> memref<128x128xf32, #tpu.memory_space<vmem>>
    tpu.enqueue_dma source(%dma_start3A_356 : memref<128x128xf32, #tpu.memory_space<vmem>>) target(%dma_start3A_352 : memref<128x128xf32, #tpu.memory_space<hbm>>) target_semaphore(%arg21 : memref<!tpu.dma_semaphore, #tpu.memory_space<semaphore_mem>>)
    %dma_start3A_357 = arith.constant 1 : i32
    %dma_start3A_358 = arith.constant 0 : i32
    %dma_start3A_359 = arith.constant 0 : i32
    %dma_start3A_360 = tpu.memref_slice %arg16[%dma_start3A_357, %dma_start3A_358, %dma_start3A_359] : memref<2x128x128xf32, #tpu.memory_space<vmem>> -> memref<1x128x128xf32, #tpu.memory_space<vmem>>
    %dma_start3A_361 = tpu.memref_squeeze %dma_start3A_360 : memref<1x128x128xf32, #tpu.memory_space<vmem>> -> memref<128x128xf32, #tpu.memory_space<vmem>>
    %dma_start3A_362 = arith.constant 0 : i32
    %dma_start3A_363 = tpu.memref_slice %arg10[%add3A_330, %dma_start3A_362] : memref<16384x128xf32, #tpu.memory_space<hbm>> -> memref<128x128xf32, #tpu.memory_space<hbm>>
    %dma_start3A_364 = arith.constant 0 : i32
    %dma_start3A_365 = tpu.memref_slice %arg10[%add3A_330, %dma_start3A_364] : memref<16384x128xf32, #tpu.memory_space<hbm>> -> memref<128x128xf32, #tpu.memory_space<hbm>>
    %dma_start3A_366 = arith.constant 0 : i32
    %dma_start3A_367 = arith.constant 0 : i32
    %dma_start3A_368 = tpu.memref_slice %arg16[%dma_start3A_357, %dma_start3A_366, %dma_start3A_367] : memref<2x128x128xf32, #tpu.memory_space<vmem>> -> memref<1x128x128xf32, #tpu.memory_space<vmem>>
    %dma_start3A_369 = tpu.memref_squeeze %dma_start3A_368 : memref<1x128x128xf32, #tpu.memory_space<vmem>> -> memref<128x128xf32, #tpu.memory_space<vmem>>
    tpu.enqueue_dma source(%dma_start3A_369 : memref<128x128xf32, #tpu.memory_space<vmem>>) target(%dma_start3A_365 : memref<128x128xf32, #tpu.memory_space<hbm>>) target_semaphore(%arg21 : memref<!tpu.dma_semaphore, #tpu.memory_space<semaphore_mem>>)
    %dma_start3A_370 = arith.constant 1 : i32
    %dma_start3A_371 = arith.constant 0 : i32
    %dma_start3A_372 = tpu.memref_slice %arg17[%dma_start3A_370, %dma_start3A_371] : memref<2x128xf32, #tpu.memory_space<vmem>> -> memref<1x128xf32, #tpu.memory_space<vmem>>
    %dma_start3A_373 = tpu.memref_squeeze %dma_start3A_372 : memref<1x128xf32, #tpu.memory_space<vmem>> -> memref<128xf32, #tpu.memory_space<vmem>>
    %dma_start3A_374 = tpu.memref_slice %arg11[%add3A_330] : memref<16384xf32, #tpu.memory_space<hbm>> -> memref<128xf32, #tpu.memory_space<hbm>>
    %dma_start3A_375 = tpu.memref_slice %arg11[%add3A_330] : memref<16384xf32, #tpu.memory_space<hbm>> -> memref<128xf32, #tpu.memory_space<hbm>>
    %dma_start3A_376 = arith.constant 0 : i32
    %dma_start3A_377 = tpu.memref_slice %arg17[%dma_start3A_370, %dma_start3A_376] : memref<2x128xf32, #tpu.memory_space<vmem>> -> memref<1x128xf32, #tpu.memory_space<vmem>>
    %dma_start3A_378 = tpu.memref_squeeze %dma_start3A_377 : memref<1x128xf32, #tpu.memory_space<vmem>> -> memref<128xf32, #tpu.memory_space<vmem>>
    tpu.enqueue_dma source(%dma_start3A_378 : memref<128xf32, #tpu.memory_space<vmem>>) target(%dma_start3A_375 : memref<128xf32, #tpu.memory_space<hbm>>) target_semaphore(%arg21 : memref<!tpu.dma_semaphore, #tpu.memory_space<semaphore_mem>>)
    %dma_wait3A_379 = arith.constant 1 : i32
    %dma_wait3A_380 = arith.constant 0 : i32
    %dma_wait3A_381 = arith.constant 0 : i32
    %dma_wait3A_382 = tpu.memref_slice %arg14[%dma_wait3A_379, %dma_wait3A_380, %dma_wait3A_381] : memref<2x128x128xf32, #tpu.memory_space<vmem>> -> memref<1x128x128xf32, #tpu.memory_space<vmem>>
    %dma_wait3A_383 = tpu.memref_squeeze %dma_wait3A_382 : memref<1x128x128xf32, #tpu.memory_space<vmem>> -> memref<128x128xf32, #tpu.memory_space<vmem>>
    %dma_wait3A_384 = arith.constant 0 : i32
    %dma_wait3A_385 = tpu.memref_slice %arg8[%add3A_330, %dma_wait3A_384] : memref<16384x128xf32, #tpu.memory_space<hbm>> -> memref<128x128xf32, #tpu.memory_space<hbm>>
    %dma_wait3A_386 = arith.constant 0 : i32
    %dma_wait3A_387 = tpu.memref_slice %arg8[%add3A_330, %dma_wait3A_386] : memref<16384x128xf32, #tpu.memory_space<hbm>> -> memref<128x128xf32, #tpu.memory_space<hbm>>
    %dma_wait3A_388 = arith.constant 0 : i32
    %dma_wait3A_389 = arith.constant 0 : i32
    %dma_wait3A_390 = tpu.memref_slice %arg14[%dma_wait3A_379, %dma_wait3A_388, %dma_wait3A_389] : memref<2x128x128xf32, #tpu.memory_space<vmem>> -> memref<1x128x128xf32, #tpu.memory_space<vmem>>
    %dma_wait3A_391 = tpu.memref_squeeze %dma_wait3A_390 : memref<1x128x128xf32, #tpu.memory_space<vmem>> -> memref<128x128xf32, #tpu.memory_space<vmem>>
    tpu.wait_dma2 semaphore(%arg21 : memref<!tpu.dma_semaphore, #tpu.memory_space<semaphore_mem>>) src(%dma_wait3A_391 : memref<128x128xf32, #tpu.memory_space<vmem>>) dst(%dma_wait3A_387 : memref<128x128xf32, #tpu.memory_space<hbm>>)
    %dma_wait3A_392 = arith.constant 1 : i32
    %dma_wait3A_393 = arith.constant 0 : i32
    %dma_wait3A_394 = arith.constant 0 : i32
    %dma_wait3A_395 = tpu.memref_slice %arg15[%dma_wait3A_392, %dma_wait3A_393, %dma_wait3A_394] : memref<2x128x128xf32, #tpu.memory_space<vmem>> -> memref<1x128x128xf32, #tpu.memory_space<vmem>>
    %dma_wait3A_396 = tpu.memref_squeeze %dma_wait3A_395 : memref<1x128x128xf32, #tpu.memory_space<vmem>> -> memref<128x128xf32, #tpu.memory_space<vmem>>
    %dma_wait3A_397 = arith.constant 0 : i32
    %dma_wait3A_398 = tpu.memref_slice %arg9[%add3A_330, %dma_wait3A_397] : memref<16384x128xf32, #tpu.memory_space<hbm>> -> memref<128x128xf32, #tpu.memory_space<hbm>>
    %dma_wait3A_399 = arith.constant 0 : i32
    %dma_wait3A_400 = tpu.memref_slice %arg9[%add3A_330, %dma_wait3A_399] : memref<16384x128xf32, #tpu.memory_space<hbm>> -> memref<128x128xf32, #tpu.memory_space<hbm>>
    %dma_wait3A_401 = arith.constant 0 : i32
    %dma_wait3A_402 = arith.constant 0 : i32
    %dma_wait3A_403 = tpu.memref_slice %arg15[%dma_wait3A_392, %dma_wait3A_401, %dma_wait3A_402] : memref<2x128x128xf32, #tpu.memory_space<vmem>> -> memref<1x128x128xf32, #tpu.memory_space<vmem>>
    %dma_wait3A_404 = tpu.memref_squeeze %dma_wait3A_403 : memref<1x128x128xf32, #tpu.memory_space<vmem>> -> memref<128x128xf32, #tpu.memory_space<vmem>>
    tpu.wait_dma2 semaphore(%arg21 : memref<!tpu.dma_semaphore, #tpu.memory_space<semaphore_mem>>) src(%dma_wait3A_404 : memref<128x128xf32, #tpu.memory_space<vmem>>) dst(%dma_wait3A_400 : memref<128x128xf32, #tpu.memory_space<hbm>>)
    %dma_wait3A_405 = arith.constant 1 : i32
    %dma_wait3A_406 = arith.constant 0 : i32
    %dma_wait3A_407 = arith.constant 0 : i32
    %dma_wait3A_408 = tpu.memref_slice %arg16[%dma_wait3A_405, %dma_wait3A_406, %dma_wait3A_407] : memref<2x128x128xf32, #tpu.memory_space<vmem>> -> memref<1x128x128xf32, #tpu.memory_space<vmem>>
    %dma_wait3A_409 = tpu.memref_squeeze %dma_wait3A_408 : memref<1x128x128xf32, #tpu.memory_space<vmem>> -> memref<128x128xf32, #tpu.memory_space<vmem>>
    %dma_wait3A_410 = arith.constant 0 : i32
    %dma_wait3A_411 = tpu.memref_slice %arg10[%add3A_330, %dma_wait3A_410] : memref<16384x128xf32, #tpu.memory_space<hbm>> -> memref<128x128xf32, #tpu.memory_space<hbm>>
    %dma_wait3A_412 = arith.constant 0 : i32
    %dma_wait3A_413 = tpu.memref_slice %arg10[%add3A_330, %dma_wait3A_412] : memref<16384x128xf32, #tpu.memory_space<hbm>> -> memref<128x128xf32, #tpu.memory_space<hbm>>
    %dma_wait3A_414 = arith.constant 0 : i32
    %dma_wait3A_415 = arith.constant 0 : i32
    %dma_wait3A_416 = tpu.memref_slice %arg16[%dma_wait3A_405, %dma_wait3A_414, %dma_wait3A_415] : memref<2x128x128xf32, #tpu.memory_space<vmem>> -> memref<1x128x128xf32, #tpu.memory_space<vmem>>
    %dma_wait3A_417 = tpu.memref_squeeze %dma_wait3A_416 : memref<1x128x128xf32, #tpu.memory_space<vmem>> -> memref<128x128xf32, #tpu.memory_space<vmem>>
    tpu.wait_dma2 semaphore(%arg21 : memref<!tpu.dma_semaphore, #tpu.memory_space<semaphore_mem>>) src(%dma_wait3A_417 : memref<128x128xf32, #tpu.memory_space<vmem>>) dst(%dma_wait3A_413 : memref<128x128xf32, #tpu.memory_space<hbm>>)
    %dma_wait3A_418 = arith.constant 1 : i32
    %dma_wait3A_419 = arith.constant 0 : i32
    %dma_wait3A_420 = tpu.memref_slice %arg17[%dma_wait3A_418, %dma_wait3A_419] : memref<2x128xf32, #tpu.memory_space<vmem>> -> memref<1x128xf32, #tpu.memory_space<vmem>>
    %dma_wait3A_421 = tpu.memref_squeeze %dma_wait3A_420 : memref<1x128xf32, #tpu.memory_space<vmem>> -> memref<128xf32, #tpu.memory_space<vmem>>
    %dma_wait3A_422 = tpu.memref_slice %arg11[%add3A_330] : memref<16384xf32, #tpu.memory_space<hbm>> -> memref<128xf32, #tpu.memory_space<hbm>>
    %dma_wait3A_423 = tpu.memref_slice %arg11[%add3A_330] : memref<16384xf32, #tpu.memory_space<hbm>> -> memref<128xf32, #tpu.memory_space<hbm>>
    %dma_wait3A_424 = arith.constant 0 : i32
    %dma_wait3A_425 = tpu.memref_slice %arg17[%dma_wait3A_418, %dma_wait3A_424] : memref<2x128xf32, #tpu.memory_space<vmem>> -> memref<1x128xf32, #tpu.memory_space<vmem>>
    %dma_wait3A_426 = tpu.memref_squeeze %dma_wait3A_425 : memref<1x128xf32, #tpu.memory_space<vmem>> -> memref<128xf32, #tpu.memory_space<vmem>>
    tpu.wait_dma2 semaphore(%arg21 : memref<!tpu.dma_semaphore, #tpu.memory_space<semaphore_mem>>) src(%dma_wait3A_426 : memref<128xf32, #tpu.memory_space<vmem>>) dst(%dma_wait3A_423 : memref<128xf32, #tpu.memory_space<hbm>>)
    %dma_start3A_427 = arith.constant 3 : i32
    %dma_start3A_428 = arith.constant 1 : i32
    %dma_start3A_429 = arith.constant 0 : i32
    %dma_start3A_430 = arith.constant 0 : i32
    %dma_start3A_431 = tpu.memref_slice %arg14[%dma_start3A_428, %dma_start3A_429, %dma_start3A_430] : memref<2x128x128xf32, #tpu.memory_space<vmem>> -> memref<1x128x128xf32, #tpu.memory_space<vmem>>
    %dma_start3A_432 = tpu.memref_squeeze %dma_start3A_431 : memref<1x128x128xf32, #tpu.memory_space<vmem>> -> memref<128x128xf32, #tpu.memory_space<vmem>>
    %dma_start3A_433 = arith.constant 0 : i32
    %dma_start3A_434 = tpu.memref_slice %arg12[%dma_start3A_427, %dma_start3A_433] : memref<4x128xi32, #tpu.memory_space<vmem>> -> memref<1x128xi32, #tpu.memory_space<vmem>>
    %dma_start3A_435 = tpu.memref_squeeze %dma_start3A_434 : memref<1x128xi32, #tpu.memory_space<vmem>> -> memref<128xi32, #tpu.memory_space<vmem>>
    %dma_start3A_436 = arith.constant 0 : i32
    %dma_start3A_437 = arith.constant 0 : i32
    %dma_start3A_438 = tpu.memref_slice %arg4[%dma_start3A_436, %dma_start3A_437] : memref<100000x128xf32, #tpu.memory_space<hbm>> -> memref<100000x128xf32, #tpu.memory_space<hbm>>
    tpu.enqueue_indirect_dma source(%dma_start3A_438 : memref<100000x128xf32, #tpu.memory_space<hbm>>) target(%dma_start3A_432 : memref<128x128xf32, #tpu.memory_space<vmem>>) offsets(%dma_start3A_435 : memref<128xi32, #tpu.memory_space<vmem>>) semaphore(%arg19 : memref<!tpu.dma_semaphore, #tpu.memory_space<semaphore_mem>>)
    %dma_start3A_439 = arith.constant 3 : i32
    %dma_start3A_440 = arith.constant 1 : i32
    %dma_start3A_441 = arith.constant 0 : i32
    %dma_start3A_442 = arith.constant 0 : i32
    %dma_start3A_443 = tpu.memref_slice %arg15[%dma_start3A_440, %dma_start3A_441, %dma_start3A_442] : memref<2x128x128xf32, #tpu.memory_space<vmem>> -> memref<1x128x128xf32, #tpu.memory_space<vmem>>
    %dma_start3A_444 = tpu.memref_squeeze %dma_start3A_443 : memref<1x128x128xf32, #tpu.memory_space<vmem>> -> memref<128x128xf32, #tpu.memory_space<vmem>>
    %dma_start3A_445 = arith.constant 0 : i32
    %dma_start3A_446 = tpu.memref_slice %arg12[%dma_start3A_439, %dma_start3A_445] : memref<4x128xi32, #tpu.memory_space<vmem>> -> memref<1x128xi32, #tpu.memory_space<vmem>>
    %dma_start3A_447 = tpu.memref_squeeze %dma_start3A_446 : memref<1x128xi32, #tpu.memory_space<vmem>> -> memref<128xi32, #tpu.memory_space<vmem>>
    %dma_start3A_448 = arith.constant 0 : i32
    %dma_start3A_449 = arith.constant 0 : i32
    %dma_start3A_450 = tpu.memref_slice %arg5[%dma_start3A_448, %dma_start3A_449] : memref<100000x128xf32, #tpu.memory_space<hbm>> -> memref<100000x128xf32, #tpu.memory_space<hbm>>
    tpu.enqueue_indirect_dma source(%dma_start3A_450 : memref<100000x128xf32, #tpu.memory_space<hbm>>) target(%dma_start3A_444 : memref<128x128xf32, #tpu.memory_space<vmem>>) offsets(%dma_start3A_447 : memref<128xi32, #tpu.memory_space<vmem>>) semaphore(%arg19 : memref<!tpu.dma_semaphore, #tpu.memory_space<semaphore_mem>>)
    %dma_start3A_451 = arith.constant 3 : i32
    %dma_start3A_452 = arith.constant 1 : i32
    %dma_start3A_453 = arith.constant 0 : i32
    %dma_start3A_454 = arith.constant 0 : i32
    %dma_start3A_455 = tpu.memref_slice %arg16[%dma_start3A_452, %dma_start3A_453, %dma_start3A_454] : memref<2x128x128xf32, #tpu.memory_space<vmem>> -> memref<1x128x128xf32, #tpu.memory_space<vmem>>
    %dma_start3A_456 = tpu.memref_squeeze %dma_start3A_455 : memref<1x128x128xf32, #tpu.memory_space<vmem>> -> memref<128x128xf32, #tpu.memory_space<vmem>>
    %dma_start3A_457 = arith.constant 0 : i32
    %dma_start3A_458 = tpu.memref_slice %arg13[%dma_start3A_451, %dma_start3A_457] : memref<4x128xi32, #tpu.memory_space<vmem>> -> memref<1x128xi32, #tpu.memory_space<vmem>>
    %dma_start3A_459 = tpu.memref_squeeze %dma_start3A_458 : memref<1x128xi32, #tpu.memory_space<vmem>> -> memref<128xi32, #tpu.memory_space<vmem>>
    %dma_start3A_460 = arith.constant 0 : i32
    %dma_start3A_461 = arith.constant 0 : i32
    %dma_start3A_462 = tpu.memref_slice %arg6[%dma_start3A_460, %dma_start3A_461] : memref<100000x128xf32, #tpu.memory_space<hbm>> -> memref<100000x128xf32, #tpu.memory_space<hbm>>
    tpu.enqueue_indirect_dma source(%dma_start3A_462 : memref<100000x128xf32, #tpu.memory_space<hbm>>) target(%dma_start3A_456 : memref<128x128xf32, #tpu.memory_space<vmem>>) offsets(%dma_start3A_459 : memref<128xi32, #tpu.memory_space<vmem>>) semaphore(%arg19 : memref<!tpu.dma_semaphore, #tpu.memory_space<semaphore_mem>>)
    %dma_start3A_463 = arith.constant 3 : i32
    %dma_start3A_464 = arith.constant 1 : i32
    %dma_start3A_465 = arith.constant 0 : i32
    %dma_start3A_466 = tpu.memref_slice %arg17[%dma_start3A_464, %dma_start3A_465] : memref<2x128xf32, #tpu.memory_space<vmem>> -> memref<1x128xf32, #tpu.memory_space<vmem>>
    %dma_start3A_467 = tpu.memref_squeeze %dma_start3A_466 : memref<1x128xf32, #tpu.memory_space<vmem>> -> memref<128xf32, #tpu.memory_space<vmem>>
    %dma_start3A_468 = arith.constant 0 : i32
    %dma_start3A_469 = tpu.memref_slice %arg13[%dma_start3A_463, %dma_start3A_468] : memref<4x128xi32, #tpu.memory_space<vmem>> -> memref<1x128xi32, #tpu.memory_space<vmem>>
    %dma_start3A_470 = tpu.memref_squeeze %dma_start3A_469 : memref<1x128xi32, #tpu.memory_space<vmem>> -> memref<128xi32, #tpu.memory_space<vmem>>
    %dma_start3A_471 = arith.constant 0 : i32
    %dma_start3A_472 = tpu.memref_slice %arg7[%dma_start3A_471] : memref<100000xf32, #tpu.memory_space<hbm>> -> memref<100000xf32, #tpu.memory_space<hbm>>
    tpu.enqueue_indirect_dma source(%dma_start3A_472 : memref<100000xf32, #tpu.memory_space<hbm>>) target(%dma_start3A_467 : memref<128xf32, #tpu.memory_space<vmem>>) offsets(%dma_start3A_470 : memref<128xi32, #tpu.memory_space<vmem>>) semaphore(%arg19 : memref<!tpu.dma_semaphore, #tpu.memory_space<semaphore_mem>>)
    %dma_wait3A_473 = arith.constant 2 : i32
    %dma_wait3A_474 = arith.constant 0 : i32
    %dma_wait3A_475 = arith.constant 0 : i32
    %dma_wait3A_476 = arith.constant 0 : i32
    %dma_wait3A_477 = tpu.memref_slice %arg14[%dma_wait3A_474, %dma_wait3A_475, %dma_wait3A_476] : memref<2x128x128xf32, #tpu.memory_space<vmem>> -> memref<1x128x128xf32, #tpu.memory_space<vmem>>
    %dma_wait3A_478 = tpu.memref_squeeze %dma_wait3A_477 : memref<1x128x128xf32, #tpu.memory_space<vmem>> -> memref<128x128xf32, #tpu.memory_space<vmem>>
    %dma_wait3A_479 = arith.constant 0 : i32
    %dma_wait3A_480 = tpu.memref_slice %arg12[%dma_wait3A_473, %dma_wait3A_479] : memref<4x128xi32, #tpu.memory_space<vmem>> -> memref<1x128xi32, #tpu.memory_space<vmem>>
    %dma_wait3A_481 = tpu.memref_squeeze %dma_wait3A_480 : memref<1x128xi32, #tpu.memory_space<vmem>> -> memref<128xi32, #tpu.memory_space<vmem>>
    %dma_wait3A_482 = arith.constant 0 : i32
    %dma_wait3A_483 = arith.constant 0 : i32
    %dma_wait3A_484 = tpu.memref_slice %arg4[%dma_wait3A_482, %dma_wait3A_483] : memref<100000x128xf32, #tpu.memory_space<hbm>> -> memref<100000x128xf32, #tpu.memory_space<hbm>>
    tpu.wait_indirect_dma semaphore(%arg18 : memref<!tpu.dma_semaphore, #tpu.memory_space<semaphore_mem>>) src(%dma_wait3A_484 : memref<100000x128xf32, #tpu.memory_space<hbm>>) dst(%dma_wait3A_478 : memref<128x128xf32, #tpu.memory_space<vmem>>)
    %dma_wait3A_485 = arith.constant 2 : i32
    %dma_wait3A_486 = arith.constant 0 : i32
    %dma_wait3A_487 = arith.constant 0 : i32
    %dma_wait3A_488 = arith.constant 0 : i32
    %dma_wait3A_489 = tpu.memref_slice %arg15[%dma_wait3A_486, %dma_wait3A_487, %dma_wait3A_488] : memref<2x128x128xf32, #tpu.memory_space<vmem>> -> memref<1x128x128xf32, #tpu.memory_space<vmem>>
    %dma_wait3A_490 = tpu.memref_squeeze %dma_wait3A_489 : memref<1x128x128xf32, #tpu.memory_space<vmem>> -> memref<128x128xf32, #tpu.memory_space<vmem>>
    %dma_wait3A_491 = arith.constant 0 : i32
    %dma_wait3A_492 = tpu.memref_slice %arg12[%dma_wait3A_485, %dma_wait3A_491] : memref<4x128xi32, #tpu.memory_space<vmem>> -> memref<1x128xi32, #tpu.memory_space<vmem>>
    %dma_wait3A_493 = tpu.memref_squeeze %dma_wait3A_492 : memref<1x128xi32, #tpu.memory_space<vmem>> -> memref<128xi32, #tpu.memory_space<vmem>>
    %dma_wait3A_494 = arith.constant 0 : i32
    %dma_wait3A_495 = arith.constant 0 : i32
    %dma_wait3A_496 = tpu.memref_slice %arg5[%dma_wait3A_494, %dma_wait3A_495] : memref<100000x128xf32, #tpu.memory_space<hbm>> -> memref<100000x128xf32, #tpu.memory_space<hbm>>
    tpu.wait_indirect_dma semaphore(%arg18 : memref<!tpu.dma_semaphore, #tpu.memory_space<semaphore_mem>>) src(%dma_wait3A_496 : memref<100000x128xf32, #tpu.memory_space<hbm>>) dst(%dma_wait3A_490 : memref<128x128xf32, #tpu.memory_space<vmem>>)
    %dma_wait3A_497 = arith.constant 2 : i32
    %dma_wait3A_498 = arith.constant 0 : i32
    %dma_wait3A_499 = arith.constant 0 : i32
    %dma_wait3A_500 = arith.constant 0 : i32
    %dma_wait3A_501 = tpu.memref_slice %arg16[%dma_wait3A_498, %dma_wait3A_499, %dma_wait3A_500] : memref<2x128x128xf32, #tpu.memory_space<vmem>> -> memref<1x128x128xf32, #tpu.memory_space<vmem>>
    %dma_wait3A_502 = tpu.memref_squeeze %dma_wait3A_501 : memref<1x128x128xf32, #tpu.memory_space<vmem>> -> memref<128x128xf32, #tpu.memory_space<vmem>>
    %dma_wait3A_503 = arith.constant 0 : i32
    %dma_wait3A_504 = tpu.memref_slice %arg13[%dma_wait3A_497, %dma_wait3A_503] : memref<4x128xi32, #tpu.memory_space<vmem>> -> memref<1x128xi32, #tpu.memory_space<vmem>>
    %dma_wait3A_505 = tpu.memref_squeeze %dma_wait3A_504 : memref<1x128xi32, #tpu.memory_space<vmem>> -> memref<128xi32, #tpu.memory_space<vmem>>
    %dma_wait3A_506 = arith.constant 0 : i32
    %dma_wait3A_507 = arith.constant 0 : i32
    %dma_wait3A_508 = tpu.memref_slice %arg6[%dma_wait3A_506, %dma_wait3A_507] : memref<100000x128xf32, #tpu.memory_space<hbm>> -> memref<100000x128xf32, #tpu.memory_space<hbm>>
    tpu.wait_indirect_dma semaphore(%arg18 : memref<!tpu.dma_semaphore, #tpu.memory_space<semaphore_mem>>) src(%dma_wait3A_508 : memref<100000x128xf32, #tpu.memory_space<hbm>>) dst(%dma_wait3A_502 : memref<128x128xf32, #tpu.memory_space<vmem>>)
    %dma_wait3A_509 = arith.constant 2 : i32
    %dma_wait3A_510 = arith.constant 0 : i32
    %dma_wait3A_511 = arith.constant 0 : i32
    %dma_wait3A_512 = tpu.memref_slice %arg17[%dma_wait3A_510, %dma_wait3A_511] : memref<2x128xf32, #tpu.memory_space<vmem>> -> memref<1x128xf32, #tpu.memory_space<vmem>>
    %dma_wait3A_513 = tpu.memref_squeeze %dma_wait3A_512 : memref<1x128xf32, #tpu.memory_space<vmem>> -> memref<128xf32, #tpu.memory_space<vmem>>
    %dma_wait3A_514 = arith.constant 0 : i32
    %dma_wait3A_515 = tpu.memref_slice %arg13[%dma_wait3A_509, %dma_wait3A_514] : memref<4x128xi32, #tpu.memory_space<vmem>> -> memref<1x128xi32, #tpu.memory_space<vmem>>
    %dma_wait3A_516 = tpu.memref_squeeze %dma_wait3A_515 : memref<1x128xi32, #tpu.memory_space<vmem>> -> memref<128xi32, #tpu.memory_space<vmem>>
    %dma_wait3A_517 = arith.constant 0 : i32
    %dma_wait3A_518 = tpu.memref_slice %arg7[%dma_wait3A_517] : memref<100000xf32, #tpu.memory_space<hbm>> -> memref<100000xf32, #tpu.memory_space<hbm>>
    tpu.wait_indirect_dma semaphore(%arg18 : memref<!tpu.dma_semaphore, #tpu.memory_space<semaphore_mem>>) src(%dma_wait3A_518 : memref<100000xf32, #tpu.memory_space<hbm>>) dst(%dma_wait3A_513 : memref<128xf32, #tpu.memory_space<vmem>>)
    %add3A_519 = arith.constant 256 : i32
    %add3A_520 = arith.addi %mul3A_2, %add3A_519 : i32
    %dma_start3A_521 = arith.constant 0 : i32
    %dma_start3A_522 = arith.constant 0 : i32
    %dma_start3A_523 = arith.constant 0 : i32
    %dma_start3A_524 = tpu.memref_slice %arg14[%dma_start3A_521, %dma_start3A_522, %dma_start3A_523] : memref<2x128x128xf32, #tpu.memory_space<vmem>> -> memref<1x128x128xf32, #tpu.memory_space<vmem>>
    %dma_start3A_525 = tpu.memref_squeeze %dma_start3A_524 : memref<1x128x128xf32, #tpu.memory_space<vmem>> -> memref<128x128xf32, #tpu.memory_space<vmem>>
    %dma_start3A_526 = arith.constant 0 : i32
    %dma_start3A_527 = tpu.memref_slice %arg8[%add3A_520, %dma_start3A_526] : memref<16384x128xf32, #tpu.memory_space<hbm>> -> memref<128x128xf32, #tpu.memory_space<hbm>>
    %dma_start3A_528 = arith.constant 0 : i32
    %dma_start3A_529 = tpu.memref_slice %arg8[%add3A_520, %dma_start3A_528] : memref<16384x128xf32, #tpu.memory_space<hbm>> -> memref<128x128xf32, #tpu.memory_space<hbm>>
    %dma_start3A_530 = arith.constant 0 : i32
    %dma_start3A_531 = arith.constant 0 : i32
    %dma_start3A_532 = tpu.memref_slice %arg14[%dma_start3A_521, %dma_start3A_530, %dma_start3A_531] : memref<2x128x128xf32, #tpu.memory_space<vmem>> -> memref<1x128x128xf32, #tpu.memory_space<vmem>>
    %dma_start3A_533 = tpu.memref_squeeze %dma_start3A_532 : memref<1x128x128xf32, #tpu.memory_space<vmem>> -> memref<128x128xf32, #tpu.memory_space<vmem>>
    tpu.enqueue_dma source(%dma_start3A_533 : memref<128x128xf32, #tpu.memory_space<vmem>>) target(%dma_start3A_529 : memref<128x128xf32, #tpu.memory_space<hbm>>) target_semaphore(%arg20 : memref<!tpu.dma_semaphore, #tpu.memory_space<semaphore_mem>>)
    %dma_start3A_534 = arith.constant 0 : i32
    %dma_start3A_535 = arith.constant 0 : i32
    %dma_start3A_536 = arith.constant 0 : i32
    %dma_start3A_537 = tpu.memref_slice %arg15[%dma_start3A_534, %dma_start3A_535, %dma_start3A_536] : memref<2x128x128xf32, #tpu.memory_space<vmem>> -> memref<1x128x128xf32, #tpu.memory_space<vmem>>
    %dma_start3A_538 = tpu.memref_squeeze %dma_start3A_537 : memref<1x128x128xf32, #tpu.memory_space<vmem>> -> memref<128x128xf32, #tpu.memory_space<vmem>>
    %dma_start3A_539 = arith.constant 0 : i32
    %dma_start3A_540 = tpu.memref_slice %arg9[%add3A_520, %dma_start3A_539] : memref<16384x128xf32, #tpu.memory_space<hbm>> -> memref<128x128xf32, #tpu.memory_space<hbm>>
    %dma_start3A_541 = arith.constant 0 : i32
    %dma_start3A_542 = tpu.memref_slice %arg9[%add3A_520, %dma_start3A_541] : memref<16384x128xf32, #tpu.memory_space<hbm>> -> memref<128x128xf32, #tpu.memory_space<hbm>>
    %dma_start3A_543 = arith.constant 0 : i32
    %dma_start3A_544 = arith.constant 0 : i32
    %dma_start3A_545 = tpu.memref_slice %arg15[%dma_start3A_534, %dma_start3A_543, %dma_start3A_544] : memref<2x128x128xf32, #tpu.memory_space<vmem>> -> memref<1x128x128xf32, #tpu.memory_space<vmem>>
    %dma_start3A_546 = tpu.memref_squeeze %dma_start3A_545 : memref<1x128x128xf32, #tpu.memory_space<vmem>> -> memref<128x128xf32, #tpu.memory_space<vmem>>
    tpu.enqueue_dma source(%dma_start3A_546 : memref<128x128xf32, #tpu.memory_space<vmem>>) target(%dma_start3A_542 : memref<128x128xf32, #tpu.memory_space<hbm>>) target_semaphore(%arg20 : memref<!tpu.dma_semaphore, #tpu.memory_space<semaphore_mem>>)
    %dma_start3A_547 = arith.constant 0 : i32
    %dma_start3A_548 = arith.constant 0 : i32
    %dma_start3A_549 = arith.constant 0 : i32
    %dma_start3A_550 = tpu.memref_slice %arg16[%dma_start3A_547, %dma_start3A_548, %dma_start3A_549] : memref<2x128x128xf32, #tpu.memory_space<vmem>> -> memref<1x128x128xf32, #tpu.memory_space<vmem>>
    %dma_start3A_551 = tpu.memref_squeeze %dma_start3A_550 : memref<1x128x128xf32, #tpu.memory_space<vmem>> -> memref<128x128xf32, #tpu.memory_space<vmem>>
    %dma_start3A_552 = arith.constant 0 : i32
    %dma_start3A_553 = tpu.memref_slice %arg10[%add3A_520, %dma_start3A_552] : memref<16384x128xf32, #tpu.memory_space<hbm>> -> memref<128x128xf32, #tpu.memory_space<hbm>>
    %dma_start3A_554 = arith.constant 0 : i32
    %dma_start3A_555 = tpu.memref_slice %arg10[%add3A_520, %dma_start3A_554] : memref<16384x128xf32, #tpu.memory_space<hbm>> -> memref<128x128xf32, #tpu.memory_space<hbm>>
    %dma_start3A_556 = arith.constant 0 : i32
    %dma_start3A_557 = arith.constant 0 : i32
    %dma_start3A_558 = tpu.memref_slice %arg16[%dma_start3A_547, %dma_start3A_556, %dma_start3A_557] : memref<2x128x128xf32, #tpu.memory_space<vmem>> -> memref<1x128x128xf32, #tpu.memory_space<vmem>>
    %dma_start3A_559 = tpu.memref_squeeze %dma_start3A_558 : memref<1x128x128xf32, #tpu.memory_space<vmem>> -> memref<128x128xf32, #tpu.memory_space<vmem>>
    tpu.enqueue_dma source(%dma_start3A_559 : memref<128x128xf32, #tpu.memory_space<vmem>>) target(%dma_start3A_555 : memref<128x128xf32, #tpu.memory_space<hbm>>) target_semaphore(%arg20 : memref<!tpu.dma_semaphore, #tpu.memory_space<semaphore_mem>>)
    %dma_start3A_560 = arith.constant 0 : i32
    %dma_start3A_561 = arith.constant 0 : i32
    %dma_start3A_562 = tpu.memref_slice %arg17[%dma_start3A_560, %dma_start3A_561] : memref<2x128xf32, #tpu.memory_space<vmem>> -> memref<1x128xf32, #tpu.memory_space<vmem>>
    %dma_start3A_563 = tpu.memref_squeeze %dma_start3A_562 : memref<1x128xf32, #tpu.memory_space<vmem>> -> memref<128xf32, #tpu.memory_space<vmem>>
    %dma_start3A_564 = tpu.memref_slice %arg11[%add3A_520] : memref<16384xf32, #tpu.memory_space<hbm>> -> memref<128xf32, #tpu.memory_space<hbm>>
    %dma_start3A_565 = tpu.memref_slice %arg11[%add3A_520] : memref<16384xf32, #tpu.memory_space<hbm>> -> memref<128xf32, #tpu.memory_space<hbm>>
    %dma_start3A_566 = arith.constant 0 : i32
    %dma_start3A_567 = tpu.memref_slice %arg17[%dma_start3A_560, %dma_start3A_566] : memref<2x128xf32, #tpu.memory_space<vmem>> -> memref<1x128xf32, #tpu.memory_space<vmem>>
    %dma_start3A_568 = tpu.memref_squeeze %dma_start3A_567 : memref<1x128xf32, #tpu.memory_space<vmem>> -> memref<128xf32, #tpu.memory_space<vmem>>
    tpu.enqueue_dma source(%dma_start3A_568 : memref<128xf32, #tpu.memory_space<vmem>>) target(%dma_start3A_565 : memref<128xf32, #tpu.memory_space<hbm>>) target_semaphore(%arg20 : memref<!tpu.dma_semaphore, #tpu.memory_space<semaphore_mem>>)
    %dma_wait3A_569 = arith.constant 3 : i32
    %dma_wait3A_570 = arith.constant 1 : i32
    %dma_wait3A_571 = arith.constant 0 : i32
    %dma_wait3A_572 = arith.constant 0 : i32
    %dma_wait3A_573 = tpu.memref_slice %arg14[%dma_wait3A_570, %dma_wait3A_571, %dma_wait3A_572] : memref<2x128x128xf32, #tpu.memory_space<vmem>> -> memref<1x128x128xf32, #tpu.memory_space<vmem>>
    %dma_wait3A_574 = tpu.memref_squeeze %dma_wait3A_573 : memref<1x128x128xf32, #tpu.memory_space<vmem>> -> memref<128x128xf32, #tpu.memory_space<vmem>>
    %dma_wait3A_575 = arith.constant 0 : i32
    %dma_wait3A_576 = tpu.memref_slice %arg12[%dma_wait3A_569, %dma_wait3A_575] : memref<4x128xi32, #tpu.memory_space<vmem>> -> memref<1x128xi32, #tpu.memory_space<vmem>>
    %dma_wait3A_577 = tpu.memref_squeeze %dma_wait3A_576 : memref<1x128xi32, #tpu.memory_space<vmem>> -> memref<128xi32, #tpu.memory_space<vmem>>
    %dma_wait3A_578 = arith.constant 0 : i32
    %dma_wait3A_579 = arith.constant 0 : i32
    %dma_wait3A_580 = tpu.memref_slice %arg4[%dma_wait3A_578, %dma_wait3A_579] : memref<100000x128xf32, #tpu.memory_space<hbm>> -> memref<100000x128xf32, #tpu.memory_space<hbm>>
    tpu.wait_indirect_dma semaphore(%arg19 : memref<!tpu.dma_semaphore, #tpu.memory_space<semaphore_mem>>) src(%dma_wait3A_580 : memref<100000x128xf32, #tpu.memory_space<hbm>>) dst(%dma_wait3A_574 : memref<128x128xf32, #tpu.memory_space<vmem>>)
    %dma_wait3A_581 = arith.constant 3 : i32
    %dma_wait3A_582 = arith.constant 1 : i32
    %dma_wait3A_583 = arith.constant 0 : i32
    %dma_wait3A_584 = arith.constant 0 : i32
    %dma_wait3A_585 = tpu.memref_slice %arg15[%dma_wait3A_582, %dma_wait3A_583, %dma_wait3A_584] : memref<2x128x128xf32, #tpu.memory_space<vmem>> -> memref<1x128x128xf32, #tpu.memory_space<vmem>>
    %dma_wait3A_586 = tpu.memref_squeeze %dma_wait3A_585 : memref<1x128x128xf32, #tpu.memory_space<vmem>> -> memref<128x128xf32, #tpu.memory_space<vmem>>
    %dma_wait3A_587 = arith.constant 0 : i32
    %dma_wait3A_588 = tpu.memref_slice %arg12[%dma_wait3A_581, %dma_wait3A_587] : memref<4x128xi32, #tpu.memory_space<vmem>> -> memref<1x128xi32, #tpu.memory_space<vmem>>
    %dma_wait3A_589 = tpu.memref_squeeze %dma_wait3A_588 : memref<1x128xi32, #tpu.memory_space<vmem>> -> memref<128xi32, #tpu.memory_space<vmem>>
    %dma_wait3A_590 = arith.constant 0 : i32
    %dma_wait3A_591 = arith.constant 0 : i32
    %dma_wait3A_592 = tpu.memref_slice %arg5[%dma_wait3A_590, %dma_wait3A_591] : memref<100000x128xf32, #tpu.memory_space<hbm>> -> memref<100000x128xf32, #tpu.memory_space<hbm>>
    tpu.wait_indirect_dma semaphore(%arg19 : memref<!tpu.dma_semaphore, #tpu.memory_space<semaphore_mem>>) src(%dma_wait3A_592 : memref<100000x128xf32, #tpu.memory_space<hbm>>) dst(%dma_wait3A_586 : memref<128x128xf32, #tpu.memory_space<vmem>>)
    %dma_wait3A_593 = arith.constant 3 : i32
    %dma_wait3A_594 = arith.constant 1 : i32
    %dma_wait3A_595 = arith.constant 0 : i32
    %dma_wait3A_596 = arith.constant 0 : i32
    %dma_wait3A_597 = tpu.memref_slice %arg16[%dma_wait3A_594, %dma_wait3A_595, %dma_wait3A_596] : memref<2x128x128xf32, #tpu.memory_space<vmem>> -> memref<1x128x128xf32, #tpu.memory_space<vmem>>
    %dma_wait3A_598 = tpu.memref_squeeze %dma_wait3A_597 : memref<1x128x128xf32, #tpu.memory_space<vmem>> -> memref<128x128xf32, #tpu.memory_space<vmem>>
    %dma_wait3A_599 = arith.constant 0 : i32
    %dma_wait3A_600 = tpu.memref_slice %arg13[%dma_wait3A_593, %dma_wait3A_599] : memref<4x128xi32, #tpu.memory_space<vmem>> -> memref<1x128xi32, #tpu.memory_space<vmem>>
    %dma_wait3A_601 = tpu.memref_squeeze %dma_wait3A_600 : memref<1x128xi32, #tpu.memory_space<vmem>> -> memref<128xi32, #tpu.memory_space<vmem>>
    %dma_wait3A_602 = arith.constant 0 : i32
    %dma_wait3A_603 = arith.constant 0 : i32
    %dma_wait3A_604 = tpu.memref_slice %arg6[%dma_wait3A_602, %dma_wait3A_603] : memref<100000x128xf32, #tpu.memory_space<hbm>> -> memref<100000x128xf32, #tpu.memory_space<hbm>>
    tpu.wait_indirect_dma semaphore(%arg19 : memref<!tpu.dma_semaphore, #tpu.memory_space<semaphore_mem>>) src(%dma_wait3A_604 : memref<100000x128xf32, #tpu.memory_space<hbm>>) dst(%dma_wait3A_598 : memref<128x128xf32, #tpu.memory_space<vmem>>)
    %dma_wait3A_605 = arith.constant 3 : i32
    %dma_wait3A_606 = arith.constant 1 : i32
    %dma_wait3A_607 = arith.constant 0 : i32
    %dma_wait3A_608 = tpu.memref_slice %arg17[%dma_wait3A_606, %dma_wait3A_607] : memref<2x128xf32, #tpu.memory_space<vmem>> -> memref<1x128xf32, #tpu.memory_space<vmem>>
    %dma_wait3A_609 = tpu.memref_squeeze %dma_wait3A_608 : memref<1x128xf32, #tpu.memory_space<vmem>> -> memref<128xf32, #tpu.memory_space<vmem>>
    %dma_wait3A_610 = arith.constant 0 : i32
    %dma_wait3A_611 = tpu.memref_slice %arg13[%dma_wait3A_605, %dma_wait3A_610] : memref<4x128xi32, #tpu.memory_space<vmem>> -> memref<1x128xi32, #tpu.memory_space<vmem>>
    %dma_wait3A_612 = tpu.memref_squeeze %dma_wait3A_611 : memref<1x128xi32, #tpu.memory_space<vmem>> -> memref<128xi32, #tpu.memory_space<vmem>>
    %dma_wait3A_613 = arith.constant 0 : i32
    %dma_wait3A_614 = tpu.memref_slice %arg7[%dma_wait3A_613] : memref<100000xf32, #tpu.memory_space<hbm>> -> memref<100000xf32, #tpu.memory_space<hbm>>
    tpu.wait_indirect_dma semaphore(%arg19 : memref<!tpu.dma_semaphore, #tpu.memory_space<semaphore_mem>>) src(%dma_wait3A_614 : memref<100000xf32, #tpu.memory_space<hbm>>) dst(%dma_wait3A_609 : memref<128xf32, #tpu.memory_space<vmem>>)
    %add3A_615 = arith.constant 384 : i32
    %add3A_616 = arith.addi %mul3A_2, %add3A_615 : i32
    %dma_start3A_617 = arith.constant 1 : i32
    %dma_start3A_618 = arith.constant 0 : i32
    %dma_start3A_619 = arith.constant 0 : i32
    %dma_start3A_620 = tpu.memref_slice %arg14[%dma_start3A_617, %dma_start3A_618, %dma_start3A_619] : memref<2x128x128xf32, #tpu.memory_space<vmem>> -> memref<1x128x128xf32, #tpu.memory_space<vmem>>
    %dma_start3A_621 = tpu.memref_squeeze %dma_start3A_620 : memref<1x128x128xf32, #tpu.memory_space<vmem>> -> memref<128x128xf32, #tpu.memory_space<vmem>>
    %dma_start3A_622 = arith.constant 0 : i32
    %dma_start3A_623 = tpu.memref_slice %arg8[%add3A_616, %dma_start3A_622] : memref<16384x128xf32, #tpu.memory_space<hbm>> -> memref<128x128xf32, #tpu.memory_space<hbm>>
    %dma_start3A_624 = arith.constant 0 : i32
    %dma_start3A_625 = tpu.memref_slice %arg8[%add3A_616, %dma_start3A_624] : memref<16384x128xf32, #tpu.memory_space<hbm>> -> memref<128x128xf32, #tpu.memory_space<hbm>>
    %dma_start3A_626 = arith.constant 0 : i32
    %dma_start3A_627 = arith.constant 0 : i32
    %dma_start3A_628 = tpu.memref_slice %arg14[%dma_start3A_617, %dma_start3A_626, %dma_start3A_627] : memref<2x128x128xf32, #tpu.memory_space<vmem>> -> memref<1x128x128xf32, #tpu.memory_space<vmem>>
    %dma_start3A_629 = tpu.memref_squeeze %dma_start3A_628 : memref<1x128x128xf32, #tpu.memory_space<vmem>> -> memref<128x128xf32, #tpu.memory_space<vmem>>
    tpu.enqueue_dma source(%dma_start3A_629 : memref<128x128xf32, #tpu.memory_space<vmem>>) target(%dma_start3A_625 : memref<128x128xf32, #tpu.memory_space<hbm>>) target_semaphore(%arg21 : memref<!tpu.dma_semaphore, #tpu.memory_space<semaphore_mem>>)
    %dma_start3A_630 = arith.constant 1 : i32
    %dma_start3A_631 = arith.constant 0 : i32
    %dma_start3A_632 = arith.constant 0 : i32
    %dma_start3A_633 = tpu.memref_slice %arg15[%dma_start3A_630, %dma_start3A_631, %dma_start3A_632] : memref<2x128x128xf32, #tpu.memory_space<vmem>> -> memref<1x128x128xf32, #tpu.memory_space<vmem>>
    %dma_start3A_634 = tpu.memref_squeeze %dma_start3A_633 : memref<1x128x128xf32, #tpu.memory_space<vmem>> -> memref<128x128xf32, #tpu.memory_space<vmem>>
    %dma_start3A_635 = arith.constant 0 : i32
    %dma_start3A_636 = tpu.memref_slice %arg9[%add3A_616, %dma_start3A_635] : memref<16384x128xf32, #tpu.memory_space<hbm>> -> memref<128x128xf32, #tpu.memory_space<hbm>>
    %dma_start3A_637 = arith.constant 0 : i32
    %dma_start3A_638 = tpu.memref_slice %arg9[%add3A_616, %dma_start3A_637] : memref<16384x128xf32, #tpu.memory_space<hbm>> -> memref<128x128xf32, #tpu.memory_space<hbm>>
    %dma_start3A_639 = arith.constant 0 : i32
    %dma_start3A_640 = arith.constant 0 : i32
    %dma_start3A_641 = tpu.memref_slice %arg15[%dma_start3A_630, %dma_start3A_639, %dma_start3A_640] : memref<2x128x128xf32, #tpu.memory_space<vmem>> -> memref<1x128x128xf32, #tpu.memory_space<vmem>>
    %dma_start3A_642 = tpu.memref_squeeze %dma_start3A_641 : memref<1x128x128xf32, #tpu.memory_space<vmem>> -> memref<128x128xf32, #tpu.memory_space<vmem>>
    tpu.enqueue_dma source(%dma_start3A_642 : memref<128x128xf32, #tpu.memory_space<vmem>>) target(%dma_start3A_638 : memref<128x128xf32, #tpu.memory_space<hbm>>) target_semaphore(%arg21 : memref<!tpu.dma_semaphore, #tpu.memory_space<semaphore_mem>>)
    %dma_start3A_643 = arith.constant 1 : i32
    %dma_start3A_644 = arith.constant 0 : i32
    %dma_start3A_645 = arith.constant 0 : i32
    %dma_start3A_646 = tpu.memref_slice %arg16[%dma_start3A_643, %dma_start3A_644, %dma_start3A_645] : memref<2x128x128xf32, #tpu.memory_space<vmem>> -> memref<1x128x128xf32, #tpu.memory_space<vmem>>
    %dma_start3A_647 = tpu.memref_squeeze %dma_start3A_646 : memref<1x128x128xf32, #tpu.memory_space<vmem>> -> memref<128x128xf32, #tpu.memory_space<vmem>>
    %dma_start3A_648 = arith.constant 0 : i32
    %dma_start3A_649 = tpu.memref_slice %arg10[%add3A_616, %dma_start3A_648] : memref<16384x128xf32, #tpu.memory_space<hbm>> -> memref<128x128xf32, #tpu.memory_space<hbm>>
    %dma_start3A_650 = arith.constant 0 : i32
    %dma_start3A_651 = tpu.memref_slice %arg10[%add3A_616, %dma_start3A_650] : memref<16384x128xf32, #tpu.memory_space<hbm>> -> memref<128x128xf32, #tpu.memory_space<hbm>>
    %dma_start3A_652 = arith.constant 0 : i32
    %dma_start3A_653 = arith.constant 0 : i32
    %dma_start3A_654 = tpu.memref_slice %arg16[%dma_start3A_643, %dma_start3A_652, %dma_start3A_653] : memref<2x128x128xf32, #tpu.memory_space<vmem>> -> memref<1x128x128xf32, #tpu.memory_space<vmem>>
    %dma_start3A_655 = tpu.memref_squeeze %dma_start3A_654 : memref<1x128x128xf32, #tpu.memory_space<vmem>> -> memref<128x128xf32, #tpu.memory_space<vmem>>
    tpu.enqueue_dma source(%dma_start3A_655 : memref<128x128xf32, #tpu.memory_space<vmem>>) target(%dma_start3A_651 : memref<128x128xf32, #tpu.memory_space<hbm>>) target_semaphore(%arg21 : memref<!tpu.dma_semaphore, #tpu.memory_space<semaphore_mem>>)
    %dma_start3A_656 = arith.constant 1 : i32
    %dma_start3A_657 = arith.constant 0 : i32
    %dma_start3A_658 = tpu.memref_slice %arg17[%dma_start3A_656, %dma_start3A_657] : memref<2x128xf32, #tpu.memory_space<vmem>> -> memref<1x128xf32, #tpu.memory_space<vmem>>
    %dma_start3A_659 = tpu.memref_squeeze %dma_start3A_658 : memref<1x128xf32, #tpu.memory_space<vmem>> -> memref<128xf32, #tpu.memory_space<vmem>>
    %dma_start3A_660 = tpu.memref_slice %arg11[%add3A_616] : memref<16384xf32, #tpu.memory_space<hbm>> -> memref<128xf32, #tpu.memory_space<hbm>>
    %dma_start3A_661 = tpu.memref_slice %arg11[%add3A_616] : memref<16384xf32, #tpu.memory_space<hbm>> -> memref<128xf32, #tpu.memory_space<hbm>>
    %dma_start3A_662 = arith.constant 0 : i32
    %dma_start3A_663 = tpu.memref_slice %arg17[%dma_start3A_656, %dma_start3A_662] : memref<2x128xf32, #tpu.memory_space<vmem>> -> memref<1x128xf32, #tpu.memory_space<vmem>>
    %dma_start3A_664 = tpu.memref_squeeze %dma_start3A_663 : memref<1x128xf32, #tpu.memory_space<vmem>> -> memref<128xf32, #tpu.memory_space<vmem>>
    tpu.enqueue_dma source(%dma_start3A_664 : memref<128xf32, #tpu.memory_space<vmem>>) target(%dma_start3A_661 : memref<128xf32, #tpu.memory_space<hbm>>) target_semaphore(%arg21 : memref<!tpu.dma_semaphore, #tpu.memory_space<semaphore_mem>>)
    %dma_wait3A_665 = arith.constant 0 : i32
    %dma_wait3A_666 = arith.constant 0 : i32
    %dma_wait3A_667 = arith.constant 0 : i32
    %dma_wait3A_668 = tpu.memref_slice %arg14[%dma_wait3A_665, %dma_wait3A_666, %dma_wait3A_667] : memref<2x128x128xf32, #tpu.memory_space<vmem>> -> memref<1x128x128xf32, #tpu.memory_space<vmem>>
    %dma_wait3A_669 = tpu.memref_squeeze %dma_wait3A_668 : memref<1x128x128xf32, #tpu.memory_space<vmem>> -> memref<128x128xf32, #tpu.memory_space<vmem>>
    %dma_wait3A_670 = arith.constant 0 : i32
    %dma_wait3A_671 = tpu.memref_slice %arg8[%add3A_520, %dma_wait3A_670] : memref<16384x128xf32, #tpu.memory_space<hbm>> -> memref<128x128xf32, #tpu.memory_space<hbm>>
    %dma_wait3A_672 = arith.constant 0 : i32
    %dma_wait3A_673 = tpu.memref_slice %arg8[%add3A_520, %dma_wait3A_672] : memref<16384x128xf32, #tpu.memory_space<hbm>> -> memref<128x128xf32, #tpu.memory_space<hbm>>
    %dma_wait3A_674 = arith.constant 0 : i32
    %dma_wait3A_675 = arith.constant 0 : i32
    %dma_wait3A_676 = tpu.memref_slice %arg14[%dma_wait3A_665, %dma_wait3A_674, %dma_wait3A_675] : memref<2x128x128xf32, #tpu.memory_space<vmem>> -> memref<1x128x128xf32, #tpu.memory_space<vmem>>
    %dma_wait3A_677 = tpu.memref_squeeze %dma_wait3A_676 : memref<1x128x128xf32, #tpu.memory_space<vmem>> -> memref<128x128xf32, #tpu.memory_space<vmem>>
    tpu.wait_dma2 semaphore(%arg20 : memref<!tpu.dma_semaphore, #tpu.memory_space<semaphore_mem>>) src(%dma_wait3A_677 : memref<128x128xf32, #tpu.memory_space<vmem>>) dst(%dma_wait3A_673 : memref<128x128xf32, #tpu.memory_space<hbm>>)
    %dma_wait3A_678 = arith.constant 0 : i32
    %dma_wait3A_679 = arith.constant 0 : i32
    %dma_wait3A_680 = arith.constant 0 : i32
    %dma_wait3A_681 = tpu.memref_slice %arg15[%dma_wait3A_678, %dma_wait3A_679, %dma_wait3A_680] : memref<2x128x128xf32, #tpu.memory_space<vmem>> -> memref<1x128x128xf32, #tpu.memory_space<vmem>>
    %dma_wait3A_682 = tpu.memref_squeeze %dma_wait3A_681 : memref<1x128x128xf32, #tpu.memory_space<vmem>> -> memref<128x128xf32, #tpu.memory_space<vmem>>
    %dma_wait3A_683 = arith.constant 0 : i32
    %dma_wait3A_684 = tpu.memref_slice %arg9[%add3A_520, %dma_wait3A_683] : memref<16384x128xf32, #tpu.memory_space<hbm>> -> memref<128x128xf32, #tpu.memory_space<hbm>>
    %dma_wait3A_685 = arith.constant 0 : i32
    %dma_wait3A_686 = tpu.memref_slice %arg9[%add3A_520, %dma_wait3A_685] : memref<16384x128xf32, #tpu.memory_space<hbm>> -> memref<128x128xf32, #tpu.memory_space<hbm>>
    %dma_wait3A_687 = arith.constant 0 : i32
    %dma_wait3A_688 = arith.constant 0 : i32
    %dma_wait3A_689 = tpu.memref_slice %arg15[%dma_wait3A_678, %dma_wait3A_687, %dma_wait3A_688] : memref<2x128x128xf32, #tpu.memory_space<vmem>> -> memref<1x128x128xf32, #tpu.memory_space<vmem>>
    %dma_wait3A_690 = tpu.memref_squeeze %dma_wait3A_689 : memref<1x128x128xf32, #tpu.memory_space<vmem>> -> memref<128x128xf32, #tpu.memory_space<vmem>>
    tpu.wait_dma2 semaphore(%arg20 : memref<!tpu.dma_semaphore, #tpu.memory_space<semaphore_mem>>) src(%dma_wait3A_690 : memref<128x128xf32, #tpu.memory_space<vmem>>) dst(%dma_wait3A_686 : memref<128x128xf32, #tpu.memory_space<hbm>>)
    %dma_wait3A_691 = arith.constant 0 : i32
    %dma_wait3A_692 = arith.constant 0 : i32
    %dma_wait3A_693 = arith.constant 0 : i32
    %dma_wait3A_694 = tpu.memref_slice %arg16[%dma_wait3A_691, %dma_wait3A_692, %dma_wait3A_693] : memref<2x128x128xf32, #tpu.memory_space<vmem>> -> memref<1x128x128xf32, #tpu.memory_space<vmem>>
    %dma_wait3A_695 = tpu.memref_squeeze %dma_wait3A_694 : memref<1x128x128xf32, #tpu.memory_space<vmem>> -> memref<128x128xf32, #tpu.memory_space<vmem>>
    %dma_wait3A_696 = arith.constant 0 : i32
    %dma_wait3A_697 = tpu.memref_slice %arg10[%add3A_520, %dma_wait3A_696] : memref<16384x128xf32, #tpu.memory_space<hbm>> -> memref<128x128xf32, #tpu.memory_space<hbm>>
    %dma_wait3A_698 = arith.constant 0 : i32
    %dma_wait3A_699 = tpu.memref_slice %arg10[%add3A_520, %dma_wait3A_698] : memref<16384x128xf32, #tpu.memory_space<hbm>> -> memref<128x128xf32, #tpu.memory_space<hbm>>
    %dma_wait3A_700 = arith.constant 0 : i32
    %dma_wait3A_701 = arith.constant 0 : i32
    %dma_wait3A_702 = tpu.memref_slice %arg16[%dma_wait3A_691, %dma_wait3A_700, %dma_wait3A_701] : memref<2x128x128xf32, #tpu.memory_space<vmem>> -> memref<1x128x128xf32, #tpu.memory_space<vmem>>
    %dma_wait3A_703 = tpu.memref_squeeze %dma_wait3A_702 : memref<1x128x128xf32, #tpu.memory_space<vmem>> -> memref<128x128xf32, #tpu.memory_space<vmem>>
    tpu.wait_dma2 semaphore(%arg20 : memref<!tpu.dma_semaphore, #tpu.memory_space<semaphore_mem>>) src(%dma_wait3A_703 : memref<128x128xf32, #tpu.memory_space<vmem>>) dst(%dma_wait3A_699 : memref<128x128xf32, #tpu.memory_space<hbm>>)
    %dma_wait3A_704 = arith.constant 0 : i32
    %dma_wait3A_705 = arith.constant 0 : i32
    %dma_wait3A_706 = tpu.memref_slice %arg17[%dma_wait3A_704, %dma_wait3A_705] : memref<2x128xf32, #tpu.memory_space<vmem>> -> memref<1x128xf32, #tpu.memory_space<vmem>>
    %dma_wait3A_707 = tpu.memref_squeeze %dma_wait3A_706 : memref<1x128xf32, #tpu.memory_space<vmem>> -> memref<128xf32, #tpu.memory_space<vmem>>
    %dma_wait3A_708 = tpu.memref_slice %arg11[%add3A_520] : memref<16384xf32, #tpu.memory_space<hbm>> -> memref<128xf32, #tpu.memory_space<hbm>>
    %dma_wait3A_709 = tpu.memref_slice %arg11[%add3A_520] : memref<16384xf32, #tpu.memory_space<hbm>> -> memref<128xf32, #tpu.memory_space<hbm>>
    %dma_wait3A_710 = arith.constant 0 : i32
    %dma_wait3A_711 = tpu.memref_slice %arg17[%dma_wait3A_704, %dma_wait3A_710] : memref<2x128xf32, #tpu.memory_space<vmem>> -> memref<1x128xf32, #tpu.memory_space<vmem>>
    %dma_wait3A_712 = tpu.memref_squeeze %dma_wait3A_711 : memref<1x128xf32, #tpu.memory_space<vmem>> -> memref<128xf32, #tpu.memory_space<vmem>>
    tpu.wait_dma2 semaphore(%arg20 : memref<!tpu.dma_semaphore, #tpu.memory_space<semaphore_mem>>) src(%dma_wait3A_712 : memref<128xf32, #tpu.memory_space<vmem>>) dst(%dma_wait3A_709 : memref<128xf32, #tpu.memory_space<hbm>>)
    %dma_wait3A_713 = arith.constant 1 : i32
    %dma_wait3A_714 = arith.constant 0 : i32
    %dma_wait3A_715 = arith.constant 0 : i32
    %dma_wait3A_716 = tpu.memref_slice %arg14[%dma_wait3A_713, %dma_wait3A_714, %dma_wait3A_715] : memref<2x128x128xf32, #tpu.memory_space<vmem>> -> memref<1x128x128xf32, #tpu.memory_space<vmem>>
    %dma_wait3A_717 = tpu.memref_squeeze %dma_wait3A_716 : memref<1x128x128xf32, #tpu.memory_space<vmem>> -> memref<128x128xf32, #tpu.memory_space<vmem>>
    %dma_wait3A_718 = arith.constant 0 : i32
    %dma_wait3A_719 = tpu.memref_slice %arg8[%add3A_616, %dma_wait3A_718] : memref<16384x128xf32, #tpu.memory_space<hbm>> -> memref<128x128xf32, #tpu.memory_space<hbm>>
    %dma_wait3A_720 = arith.constant 0 : i32
    %dma_wait3A_721 = tpu.memref_slice %arg8[%add3A_616, %dma_wait3A_720] : memref<16384x128xf32, #tpu.memory_space<hbm>> -> memref<128x128xf32, #tpu.memory_space<hbm>>
    %dma_wait3A_722 = arith.constant 0 : i32
    %dma_wait3A_723 = arith.constant 0 : i32
    %dma_wait3A_724 = tpu.memref_slice %arg14[%dma_wait3A_713, %dma_wait3A_722, %dma_wait3A_723] : memref<2x128x128xf32, #tpu.memory_space<vmem>> -> memref<1x128x128xf32, #tpu.memory_space<vmem>>
    %dma_wait3A_725 = tpu.memref_squeeze %dma_wait3A_724 : memref<1x128x128xf32, #tpu.memory_space<vmem>> -> memref<128x128xf32, #tpu.memory_space<vmem>>
    tpu.wait_dma2 semaphore(%arg21 : memref<!tpu.dma_semaphore, #tpu.memory_space<semaphore_mem>>) src(%dma_wait3A_725 : memref<128x128xf32, #tpu.memory_space<vmem>>) dst(%dma_wait3A_721 : memref<128x128xf32, #tpu.memory_space<hbm>>)
    %dma_wait3A_726 = arith.constant 1 : i32
    %dma_wait3A_727 = arith.constant 0 : i32
    %dma_wait3A_728 = arith.constant 0 : i32
    %dma_wait3A_729 = tpu.memref_slice %arg15[%dma_wait3A_726, %dma_wait3A_727, %dma_wait3A_728] : memref<2x128x128xf32, #tpu.memory_space<vmem>> -> memref<1x128x128xf32, #tpu.memory_space<vmem>>
    %dma_wait3A_730 = tpu.memref_squeeze %dma_wait3A_729 : memref<1x128x128xf32, #tpu.memory_space<vmem>> -> memref<128x128xf32, #tpu.memory_space<vmem>>
    %dma_wait3A_731 = arith.constant 0 : i32
    %dma_wait3A_732 = tpu.memref_slice %arg9[%add3A_616, %dma_wait3A_731] : memref<16384x128xf32, #tpu.memory_space<hbm>> -> memref<128x128xf32, #tpu.memory_space<hbm>>
    %dma_wait3A_733 = arith.constant 0 : i32
    %dma_wait3A_734 = tpu.memref_slice %arg9[%add3A_616, %dma_wait3A_733] : memref<16384x128xf32, #tpu.memory_space<hbm>> -> memref<128x128xf32, #tpu.memory_space<hbm>>
    %dma_wait3A_735 = arith.constant 0 : i32
    %dma_wait3A_736 = arith.constant 0 : i32
    %dma_wait3A_737 = tpu.memref_slice %arg15[%dma_wait3A_726, %dma_wait3A_735, %dma_wait3A_736] : memref<2x128x128xf32, #tpu.memory_space<vmem>> -> memref<1x128x128xf32, #tpu.memory_space<vmem>>
    %dma_wait3A_738 = tpu.memref_squeeze %dma_wait3A_737 : memref<1x128x128xf32, #tpu.memory_space<vmem>> -> memref<128x128xf32, #tpu.memory_space<vmem>>
    tpu.wait_dma2 semaphore(%arg21 : memref<!tpu.dma_semaphore, #tpu.memory_space<semaphore_mem>>) src(%dma_wait3A_738 : memref<128x128xf32, #tpu.memory_space<vmem>>) dst(%dma_wait3A_734 : memref<128x128xf32, #tpu.memory_space<hbm>>)
    %dma_wait3A_739 = arith.constant 1 : i32
    %dma_wait3A_740 = arith.constant 0 : i32
    %dma_wait3A_741 = arith.constant 0 : i32
    %dma_wait3A_742 = tpu.memref_slice %arg16[%dma_wait3A_739, %dma_wait3A_740, %dma_wait3A_741] : memref<2x128x128xf32, #tpu.memory_space<vmem>> -> memref<1x128x128xf32, #tpu.memory_space<vmem>>
    %dma_wait3A_743 = tpu.memref_squeeze %dma_wait3A_742 : memref<1x128x128xf32, #tpu.memory_space<vmem>> -> memref<128x128xf32, #tpu.memory_space<vmem>>
    %dma_wait3A_744 = arith.constant 0 : i32
    %dma_wait3A_745 = tpu.memref_slice %arg10[%add3A_616, %dma_wait3A_744] : memref<16384x128xf32, #tpu.memory_space<hbm>> -> memref<128x128xf32, #tpu.memory_space<hbm>>
    %dma_wait3A_746 = arith.constant 0 : i32
    %dma_wait3A_747 = tpu.memref_slice %arg10[%add3A_616, %dma_wait3A_746] : memref<16384x128xf32, #tpu.memory_space<hbm>> -> memref<128x128xf32, #tpu.memory_space<hbm>>
    %dma_wait3A_748 = arith.constant 0 : i32
    %dma_wait3A_749 = arith.constant 0 : i32
    %dma_wait3A_750 = tpu.memref_slice %arg16[%dma_wait3A_739, %dma_wait3A_748, %dma_wait3A_749] : memref<2x128x128xf32, #tpu.memory_space<vmem>> -> memref<1x128x128xf32, #tpu.memory_space<vmem>>
    %dma_wait3A_751 = tpu.memref_squeeze %dma_wait3A_750 : memref<1x128x128xf32, #tpu.memory_space<vmem>> -> memref<128x128xf32, #tpu.memory_space<vmem>>
    tpu.wait_dma2 semaphore(%arg21 : memref<!tpu.dma_semaphore, #tpu.memory_space<semaphore_mem>>) src(%dma_wait3A_751 : memref<128x128xf32, #tpu.memory_space<vmem>>) dst(%dma_wait3A_747 : memref<128x128xf32, #tpu.memory_space<hbm>>)
    %dma_wait3A_752 = arith.constant 1 : i32
    %dma_wait3A_753 = arith.constant 0 : i32
    %dma_wait3A_754 = tpu.memref_slice %arg17[%dma_wait3A_752, %dma_wait3A_753] : memref<2x128xf32, #tpu.memory_space<vmem>> -> memref<1x128xf32, #tpu.memory_space<vmem>>
    %dma_wait3A_755 = tpu.memref_squeeze %dma_wait3A_754 : memref<1x128xf32, #tpu.memory_space<vmem>> -> memref<128xf32, #tpu.memory_space<vmem>>
    %dma_wait3A_756 = tpu.memref_slice %arg11[%add3A_616] : memref<16384xf32, #tpu.memory_space<hbm>> -> memref<128xf32, #tpu.memory_space<hbm>>
    %dma_wait3A_757 = tpu.memref_slice %arg11[%add3A_616] : memref<16384xf32, #tpu.memory_space<hbm>> -> memref<128xf32, #tpu.memory_space<hbm>>
    %dma_wait3A_758 = arith.constant 0 : i32
    %dma_wait3A_759 = tpu.memref_slice %arg17[%dma_wait3A_752, %dma_wait3A_758] : memref<2x128xf32, #tpu.memory_space<vmem>> -> memref<1x128xf32, #tpu.memory_space<vmem>>
    %dma_wait3A_760 = tpu.memref_squeeze %dma_wait3A_759 : memref<1x128xf32, #tpu.memory_space<vmem>> -> memref<128xf32, #tpu.memory_space<vmem>>
    tpu.wait_dma2 semaphore(%arg21 : memref<!tpu.dma_semaphore, #tpu.memory_space<semaphore_mem>>) src(%dma_wait3A_760 : memref<128xf32, #tpu.memory_space<vmem>>) dst(%dma_wait3A_757 : memref<128xf32, #tpu.memory_space<hbm>>)
    return
  }
}

module attributes {stable_mosaic.version = 14 : i64} {
  func.func @body(%arg0: i32, %arg1: memref<4096x128xf32, #tpu.memory_space<vmem>>, %arg2: memref<4096x128xf32, #tpu.memory_space<vmem>>, %arg3: memref<1x4096xf32, #tpu.memory_space<vmem>>, %arg4: memref<4096x128xf32, #tpu.memory_space<vmem>>, %arg5: memref<512x128xbf16, #tpu.memory_space<vmem>>, %arg6: memref<1x512xf32, #tpu.memory_space<vmem>>, %arg7: memref<256x512xbf16, #tpu.memory_space<vmem>>, %arg8: memref<1x256xf32, #tpu.memory_space<vmem>>, %arg9: memref<1x256xbf16, #tpu.memory_space<vmem>>, %arg10: memref<1x1xf32, #tpu.memory_space<vmem>>, %arg11: memref<1x4096xf32, #tpu.memory_space<vmem>>) attributes {dimension_semantics = [#tpu.dimension_semantics<arbitrary>], iteration_bounds = array<i64: 4>, scalar_prefetch = 0 : i64, scratch_operands = 0 : i64, tpu.core_type = #tpu.core_type<tc>, window_params = [{transform_indices = @transform_0, window_bounds = array<i64: 4096, 128>}, {transform_indices = @transform_1, window_bounds = array<i64: 4096, 128>}, {transform_indices = @transform_2, window_bounds = array<i64: 1, 4096>}, {transform_indices = @transform_3, window_bounds = array<i64: 4096, 128>}, {pipeline_mode = #tpu.pipeline_mode<synchronous>, transform_indices = @transform_4, window_bounds = array<i64: 512, 128>}, {pipeline_mode = #tpu.pipeline_mode<synchronous>, transform_indices = @transform_5, window_bounds = array<i64: 1, 512>}, {pipeline_mode = #tpu.pipeline_mode<synchronous>, transform_indices = @transform_6, window_bounds = array<i64: 256, 512>}, {pipeline_mode = #tpu.pipeline_mode<synchronous>, transform_indices = @transform_7, window_bounds = array<i64: 1, 256>}, {pipeline_mode = #tpu.pipeline_mode<synchronous>, transform_indices = @transform_8, window_bounds = array<i64: 1, 256>}, {pipeline_mode = #tpu.pipeline_mode<synchronous>, transform_indices = @transform_9, window_bounds = array<i64: 1, 1>}, {transform_indices = @transform_10, window_bounds = array<i64: 1, 4096>}]} {
    %get3A = arith.constant 0 : index
    %get3A_0 = arith.constant 0 : index
    %get3A_1 = vector.load %arg1[%get3A, %get3A_0] : memref<4096x128xf32, #tpu.memory_space<vmem>>, vector<4096x128xf32>
    %mul3A = arith.constant 5.000000e-01 : f32
    %mul3A_2 = vector.broadcast %mul3A : f32 to vector<4096x128xf32>
    %mul3A_3 = arith.mulf %mul3A_2, %get3A_1 : vector<4096x128xf32>
    %convert_element_type3A = arith.truncf %mul3A_3 : vector<4096x128xf32> to vector<4096x128xbf16>
    %tanh3A = math.tanh %convert_element_type3A : vector<4096x128xbf16>
    %get3A_4 = arith.constant 0 : index
    %get3A_5 = arith.constant 0 : index
    %get3A_6 = vector.load %arg2[%get3A_4, %get3A_5] : memref<4096x128xf32, #tpu.memory_space<vmem>>, vector<4096x128xf32>
    %mul3A_7 = arith.constant 5.000000e-01 : f32
    %mul3A_8 = vector.broadcast %mul3A_7 : f32 to vector<4096x128xf32>
    %mul3A_9 = arith.mulf %mul3A_8, %get3A_6 : vector<4096x128xf32>
    %convert_element_type3A_10 = arith.truncf %mul3A_9 : vector<4096x128xf32> to vector<4096x128xbf16>
    %tanh3A_11 = math.tanh %convert_element_type3A_10 : vector<4096x128xbf16>
    %get3A_12 = arith.constant 0 : index
    %get3A_13 = arith.constant 0 : index
    %get3A_14 = vector.load %arg3[%get3A_12, %get3A_13] : memref<1x4096xf32, #tpu.memory_space<vmem>>, vector<1x4096xf32>
    %mul3A_15 = arith.constant 5.000000e-01 : f32
    %mul3A_16 = vector.broadcast %mul3A_15 : f32 to vector<1x4096xf32>
    %mul3A_17 = arith.mulf %mul3A_16, %get3A_14 : vector<1x4096xf32>
    %tanh3A_18 = math.tanh %mul3A_17 : vector<1x4096xf32>
    %add3A = arith.constant 1.000000e+00 : f32
    %add3A_19 = vector.broadcast %add3A : f32 to vector<1x4096xf32>
    %add3A_20 = arith.addf %tanh3A_18, %add3A_19 : vector<1x4096xf32>
    %mul3A_21 = arith.constant 2.500000e+00 : f32
    %mul3A_22 = vector.broadcast %mul3A_21 : f32 to vector<1x4096xf32>
    %mul3A_23 = arith.mulf %mul3A_22, %add3A_20 : vector<1x4096xf32>
    %reshape3A = vector.shape_cast %mul3A_23 : vector<1x4096xf32> to vector<4096x1xf32>
    %sub3A = arith.subf %tanh3A, %tanh3A_11 : vector<4096x128xbf16>
    %convert_element_type3A_24 = arith.extf %sub3A : vector<4096x128xbf16> to vector<4096x128xf32>
    %mul3A_25 = vector.broadcast %reshape3A : vector<4096x1xf32> to vector<4096x128xf32>
    %mul3A_26 = arith.mulf %mul3A_25, %convert_element_type3A_24 : vector<4096x128xf32>
    %get3A_27 = arith.constant 0 : index
    %get3A_28 = arith.constant 0 : index
    %get3A_29 = vector.load %arg4[%get3A_27, %get3A_28] : memref<4096x128xf32, #tpu.memory_space<vmem>>, vector<4096x128xf32>
    %mul3A_30 = arith.mulf %mul3A_26, %get3A_29 : vector<4096x128xf32>
    %convert_element_type3A_31 = arith.truncf %mul3A_30 : vector<4096x128xf32> to vector<4096x128xbf16>
    %get3A_32 = arith.constant 0 : index
    %get3A_33 = arith.constant 0 : index
    %get3A_34 = vector.load %arg5[%get3A_32, %get3A_33] : memref<512x128xbf16, #tpu.memory_space<vmem>>, vector<512x128xbf16>
    %dot_general3A = arith.constant dense<0.000000e+00> : vector<4096x512xf32>
    %dot_general3A_35 = tpu.matmul %convert_element_type3A_31, %get3A_34, %dot_general3A {dimension_numbers = #tpu.dot_dimension_numbers<[1], [1], [0], [0], [0, 0, 1, 0], [], []>, transpose_lhs_hint = false} : vector<4096x128xbf16>, vector<512x128xbf16>, vector<4096x512xf32> -> vector<4096x512xf32>
    %get3A_36 = arith.constant 0 : index
    %get3A_37 = arith.constant 0 : index
    %get3A_38 = vector.load %arg6[%get3A_36, %get3A_37] : memref<1x512xf32, #tpu.memory_space<vmem>>, vector<1x512xf32>
    %add3A_39 = vector.broadcast %get3A_38 : vector<1x512xf32> to vector<4096x512xf32>
    %add3A_40 = arith.addf %dot_general3A_35, %add3A_39 : vector<4096x512xf32>
    %convert_element_type3A_41 = arith.truncf %add3A_40 : vector<4096x512xf32> to vector<4096x512xbf16>
    %tanh3A_42 = math.tanh %convert_element_type3A_41 : vector<4096x512xbf16>
    %get3A_43 = arith.constant 0 : index
    %get3A_44 = arith.constant 0 : index
    %get3A_45 = vector.load %arg7[%get3A_43, %get3A_44] : memref<256x512xbf16, #tpu.memory_space<vmem>>, vector<256x512xbf16>
    %dot_general3A_46 = arith.constant dense<0.000000e+00> : vector<4096x256xf32>
    %dot_general3A_47 = tpu.matmul %tanh3A_42, %get3A_45, %dot_general3A_46 {dimension_numbers = #tpu.dot_dimension_numbers<[1], [1], [0], [0], [0, 0, 1, 0], [], []>, transpose_lhs_hint = false} : vector<4096x512xbf16>, vector<256x512xbf16>, vector<4096x256xf32> -> vector<4096x256xf32>
    %get3A_48 = arith.constant 0 : index
    %get3A_49 = arith.constant 0 : index
    %get3A_50 = vector.load %arg8[%get3A_48, %get3A_49] : memref<1x256xf32, #tpu.memory_space<vmem>>, vector<1x256xf32>
    %add3A_51 = vector.broadcast %get3A_50 : vector<1x256xf32> to vector<4096x256xf32>
    %add3A_52 = arith.addf %dot_general3A_47, %add3A_51 : vector<4096x256xf32>
    %convert_element_type3A_53 = arith.truncf %add3A_52 : vector<4096x256xf32> to vector<4096x256xbf16>
    %tanh3A_54 = math.tanh %convert_element_type3A_53 : vector<4096x256xbf16>
    %get3A_55 = arith.constant 0 : index
    %get3A_56 = arith.constant 0 : index
    %get3A_57 = vector.load %arg9[%get3A_55, %get3A_56] : memref<1x256xbf16, #tpu.memory_space<vmem>>, vector<1x256xbf16>
    %dot_general3A_58 = arith.constant dense<0.000000e+00> : vector<1x4096xf32>
    %dot_general3A_59 = tpu.matmul %get3A_57, %tanh3A_54, %dot_general3A_58 {dimension_numbers = #tpu.dot_dimension_numbers<[1], [1], [0], [0], [0, 0, 1, 0], [], []>, transpose_lhs_hint = false} : vector<1x256xbf16>, vector<4096x256xbf16>, vector<1x4096xf32> -> vector<1x4096xf32>
    %get3A_60 = arith.constant 0 : index
    %get3A_61 = arith.constant 0 : index
    %get3A_62 = vector.load %arg10[%get3A_60, %get3A_61] : memref<1x1xf32, #tpu.memory_space<vmem>>, vector<1x1xf32>
    %add3A_63 = vector.broadcast %get3A_62 : vector<1x1xf32> to vector<1x4096xf32>
    %add3A_64 = arith.addf %dot_general3A_59, %add3A_63 : vector<1x4096xf32>
    %tanh3A_65 = math.tanh %add3A_64 : vector<1x4096xf32>
    %mul3A_66 = arith.constant 5.000000e-01 : f32
    %mul3A_67 = vector.broadcast %mul3A_66 : f32 to vector<1x4096xf32>
    %mul3A_68 = arith.mulf %mul3A_67, %tanh3A_65 : vector<1x4096xf32>
    %add3A_69 = arith.constant 5.000000e-01 : f32
    %add3A_70 = vector.broadcast %add3A_69 : f32 to vector<1x4096xf32>
    %add3A_71 = arith.addf %mul3A_68, %add3A_70 : vector<1x4096xf32>
    %swap3A = arith.constant 0 : index
    %swap3A_72 = arith.constant 0 : index
    %swap3A_73 = vector.load %arg11[%swap3A, %swap3A_72] : memref<1x4096xf32, #tpu.memory_space<vmem>>, vector<1x4096xf32>
    tpu.vector_store %arg11[%swap3A, %swap3A_72], %add3A_71 {strides = array<i32>} : memref<1x4096xf32, #tpu.memory_space<vmem>>, vector<1x4096xf32>,
    return
  }
  func.func @transform_0(%arg0: i32) -> (i32, i32) {
    %c0_i32 = arith.constant 0 : i32
    %c0_i32_0 = arith.constant 0 : i32
    return %arg0, %c0_i32 : i32, i32
  }
  func.func @transform_1(%arg0: i32) -> (i32, i32) {
    %c0_i32 = arith.constant 0 : i32
    %c0_i32_0 = arith.constant 0 : i32
    return %arg0, %c0_i32 : i32, i32
  }
  func.func @transform_2(%arg0: i32) -> (i32, i32) {
    %c0_i32 = arith.constant 0 : i32
    %c0_i32_0 = arith.constant 0 : i32
    return %c0_i32, %arg0 : i32, i32
  }
  func.func @transform_3(%arg0: i32) -> (i32, i32) {
    %c0_i32 = arith.constant 0 : i32
    %c0_i32_0 = arith.constant 0 : i32
    return %arg0, %c0_i32 : i32, i32
  }
  func.func @transform_4(%arg0: i32) -> (i32, i32) {
    %c0_i32 = arith.constant 0 : i32
    %c0_i32_0 = arith.constant 0 : i32
    %c0_i32_1 = arith.constant 0 : i32
    return %c0_i32, %c0_i32_0 : i32, i32
  }
  func.func @transform_5(%arg0: i32) -> (i32, i32) {
    %c0_i32 = arith.constant 0 : i32
    %c0_i32_0 = arith.constant 0 : i32
    %c0_i32_1 = arith.constant 0 : i32
    return %c0_i32, %c0_i32_0 : i32, i32
  }
  func.func @transform_6(%arg0: i32) -> (i32, i32) {
    %c0_i32 = arith.constant 0 : i32
    %c0_i32_0 = arith.constant 0 : i32
    %c0_i32_1 = arith.constant 0 : i32
    return %c0_i32, %c0_i32_0 : i32, i32
  }
  func.func @transform_7(%arg0: i32) -> (i32, i32) {
    %c0_i32 = arith.constant 0 : i32
    %c0_i32_0 = arith.constant 0 : i32
    %c0_i32_1 = arith.constant 0 : i32
    return %c0_i32, %c0_i32_0 : i32, i32
  }
  func.func @transform_8(%arg0: i32) -> (i32, i32) {
    %c0_i32 = arith.constant 0 : i32
    %c0_i32_0 = arith.constant 0 : i32
    %c0_i32_1 = arith.constant 0 : i32
    return %c0_i32, %c0_i32_0 : i32, i32
  }
  func.func @transform_9(%arg0: i32) -> (i32, i32) {
    %c0_i32 = arith.constant 0 : i32
    %c0_i32_0 = arith.constant 0 : i32
    %c0_i32_1 = arith.constant 0 : i32
    return %c0_i32, %c0_i32_0 : i32, i32
  }
  func.func @transform_10(%arg0: i32) -> (i32, i32) {
    %c0_i32 = arith.constant 0 : i32
    %c0_i32_0 = arith.constant 0 : i32
    return %c0_i32, %arg0 : i32, i32
  }
}

</mosaic_0001>

<sc_bundles>
// kernel: kernel.4.cloned.1.call-start
scs
__scs_entry_jumppad:
0x0: {  	(pc) =	sbr.rel $0x88, $3  }
0x1: {  	(tag) =	ssettag $0x0;
	lr =	simm.s32 $0x1  }
0x2: {  	[smem:$0x3F94] =	sst lr;
	_ =	strace $0xD0000000  }
0x3: {  	_ = 	snop  }
0x4: {  	_ = 	snop  }
0x5: {  	_ = 	snop  }
0x6: {  	_ = 	snop  }
0x7: {  	_ = 	snop  }
__scs_overlays_trampoline_lowered:
0x8: {  	[smem:$0x3FA3] =	sst s0  }
0x9: {  	[smem:$0x3FA4] =	sst s1  }
0xa: {  	[smem:$0x3FA5] =	sst s2  }
0xb: {  	[smem:$0x3FA6] =	sst s3  }
0xc: {  	[smem:$0x3FA7] =	sst s4  }
0xd: {  	[smem:$0x3FA8] =	sst s5  }
0xe: {  	[smem:$0x3FA9] =	sst s6  }
0xf: {  	[smem:$0x3FAA] =	sst s7  }
0x10: {  	[smem:$0x3FAB] =	sst s8  }
0x11: {  	[smem:$0x3FAC] =	sst s9;
	s0 =	simm.s32 @!p0 $0x0  }
0x12: {  	s1 =	sld [smem:$0x3F92];
	s0 =	simm.s32 @p0 $0x1  }
0x13: {  	[smem:$0x3FAD] =	sst s0;
	s0 =	simm.s32 @!p1 $0x0  }
0x14: {  	s2 =	sld [smem:$0x3F91];
	s0 =	simm.s32 @p1 $0x1  }
0x15: {  	[smem:$0x3FAE] =	sst s0;
	s0 =	simm.s32 @!p2 $0x0  }
0x16: {  	s3 =	sld [smem:$0x3FDB];
	s0 =	simm.s32 @p2 $0x1  }
0x17: {  	s4 =	simm.s32 $0x1BF5;
	[smem:$0x3FB0] =	sst s0  }
0x18: {  	s0 =	sld [smem:$0x3F93];
	_ =	swait.ge [sflag:s4], $0x0  }
0x19: {  	s7 =	sld [smem:$0x3F94]  }
0x1a: {  	s8 =	sadd.s32 $0xFFFFE003, lr  }
0x1b: {  	s9 =	sadd.s32 $0xFFFFFEF7, lr;
	s5 =	simm.s32 $0xFFFFFFFF;
	p2 =	slt.u32 s8, $0xFFFFF086  }
0x1c: {  	p1 =	slt.u32 s9, $0xF7A;
	s5 =	simm.s32 @!p2 $0x0  }
0x1d: {  	s5 =	simm.s32 @p1 $0x1;
	p0 =	seq.s32 s7, s2  }
0x1e: {  	s7 =	smul.u32 @!p0 $0xF7A, s2;
	p2 =	seq.s32 @!p0 s5, $0x0  }
0x1f: {  	s9 =	smul.u32 $0xF7A, s1;
	s8 =	simm.s32 @!p0 $0x1BF5;
	p2 =	por !p2, p0  }
0x20: {  	[sflag:s8] =	ssyncset.s32 @!p0 $0xFFFFF086;
	s6 =	sadd.s32 @!p0 s3, s7;
	s7 =	simm.s32 @!p0 $0x108  }
0x21: {  	s3 =	sadd.s32 s3, s9;
	s6 =	sadd.s32 @!p0 $0x88, s6;
	s7 =	simm.s32 @p2 $0x1082  }
0x22: {  	[simem:s7], [sflag:s8] =	dma.local @!p0 [hbm:s6], $0xF7A  }
0x23: {  	s9 =	sor.u32 $0xD0000000, s2;
	s6 =	simm.s32 $0x108;
	_ =	swait.ge @!p0 [sflag:s8], $0x0  }
0x24: {  	s3 =	sadd.s32 $0x88, s3;
	s6 =	simm.s32 @!p1 $0x1082;
	[sflag:s4] =	ssyncset.s32 $0xFFFFF086  }
0x25: {  	[simem:s6], [sflag:s4] =	dma.local [hbm:s3], $0xF7A  }
0x26: {  	[smem:$0x3F94] =	sst s1;
	(tag) =	ssettag s2;
	_ =	strace s9  }
0x27: {  	s1 =	sld [smem:$0x3FA4]  }
0x28: {  	s2 =	sld [smem:$0x3FA5]  }
0x29: {  	s4 =	sld [smem:$0x3FA7]  }
0x2a: {  	p0 =	seq.s32 s5, $0x0;
	s5 =	sld [smem:$0x3FA8]  }
0x2b: {  	s6 =	sld [smem:$0x3FA9]  }
0x2c: {  	s7 =	sld [smem:$0x3FAA]  }
0x2d: {  	s3 =	simm.s32 $0x108;
	s8 =	sld [smem:$0x3FAB]  }
0x2e: {  	s3 =	simm.s32 @!p0 $0x1082;
	s9 =	sld [smem:$0x3FAC]  }
0x2f: {  	lr =	sadd.s32 s0, s3;
	s0 =	sld [smem:$0x3FA3]  }
0x30: {  	s3 =	sld [smem:$0x3FA6]  }
0x31: {  	[smem:$0x3FAF] =	sst s10  }
0x32: {  	s10 =	sld [smem:$0x3FAD];
	_ =	sdelay $0x3  }
0x33: {  	p0 =	seq.s32 s10, $0x1;
	s10 =	sld [smem:$0x3FAF];
	_ =	sdelay $0x3  }
0x34: {  	[smem:$0x3FAF] =	sst s10  }
0x35: {  	s10 =	sld [smem:$0x3FAE];
	_ =	sdelay $0x3  }
0x36: {  	p1 =	seq.s32 s10, $0x1;
	s10 =	sld [smem:$0x3FAF];
	_ =	sdelay $0x3  }
0x37: {  	[smem:$0x3FAF] =	sst s10  }
0x38: {  	s10 =	sld [smem:$0x3FB0]  }
0x39: {  	_ = 	snop;
	(pc) =	sbr.ind lr, $3  }
0x3a: {  	_ = 	snop  }
0x3b: {  	_ = 	snop  }
0x3c: {  	p2 =	seq.s32 s10, $0x1;
	s10 =	sld [smem:$0x3FAF]  }
0x3d: {  	_ =	shalt  }
0x3e: {  	_ =	shalt  }
0x3f: {  	_ =	shalt  }
0x40: {  	_ =	shalt  }
0x41: {  	_ =	shalt  }
0x42: {  	_ =	shalt  }
0x43: {  	_ =	shalt  }
0x44: {  	_ =	shalt  }
0x45: {  	_ =	shalt  }
0x46: {  	_ =	shalt  }
0x47: {  	_ =	shalt  }
0x48: {  	_ =	shalt  }
0x49: {  	_ =	shalt  }
0x4a: {  	_ =	shalt  }
0x4b: {  	_ =	shalt  }
0x4c: {  	_ =	shalt  }
0x4d: {  	_ =	shalt  }
0x4e: {  	_ =	shalt  }
0x4f: {  	_ =	shalt  }
0x50: {  	_ =	shalt  }
0x51: {  	_ =	shalt  }
0x52: {  	_ =	shalt  }
0x53: {  	_ =	shalt  }
0x54: {  	_ =	shalt  }
0x55: {  	_ =	shalt  }
0x56: {  	_ =	shalt  }
0x57: {  	_ =	shalt  }
0x58: {  	_ =	shalt  }
0x59: {  	_ =	shalt  }
0x5a: {  	_ =	shalt  }
0x5b: {  	_ =	shalt  }
0x5c: {  	_ =	shalt  }
0x5d: {  	_ =	shalt  }
0x5e: {  	_ =	shalt  }
0x5f: {  	_ =	shalt  }
0x60: {  	_ =	shalt  }
0x61: {  	_ =	shalt  }
0x62: {  	_ =	shalt  }
0x63: {  	_ =	shalt  }
0x64: {  	_ =	shalt  }
0x65: {  	_ =	shalt  }
0x66: {  	_ =	shalt  }
0x67: {  	_ =	shalt  }
0x68: {  	_ =	shalt  }
0x69: {  	_ =	shalt  }
0x6a: {  	_ =	shalt  }
0x6b: {  	_ =	shalt  }
0x6c: {  	_ =	shalt  }
0x6d: {  	_ =	shalt  }
0x6e: {  	_ =	shalt  }
0x6f: {  	_ =	shalt  }
0x70: {  	_ =	shalt  }
0x71: {  	_ =	shalt  }
0x72: {  	_ =	shalt  }
0x73: {  	_ =	shalt  }
0x74: {  	_ =	shalt  }
0x75: {  	_ =	shalt  }
0x76: {  	_ =	shalt  }
0x77: {  	_ =	shalt  }
0x78: {  	_ =	shalt  }
0x79: {  	_ =	shalt  }
0x7a: {  	_ =	shalt  }
0x7b: {  	_ =	shalt  }
0x7c: {  	_ =	shalt  }
0x7d: {  	_ =	shalt  }
0x7e: {  	_ =	shalt  }
0x7f: {  	_ =	shalt  }
0x80: {  	_ =	shalt  }
0x81: {  	_ =	shalt  }
0x82: {  	_ =	shalt  }
0x83: {  	_ =	shalt  }
0x84: {  	_ =	shalt  }
0x85: {  	_ =	shalt  }
0x86: {  	_ =	shalt  }
0x87: {  	_ =	shalt  }
.Lfunc_end0:
.L_simem_size_0:
called_computation_lowered:
.L_overlay_start_0:
0x88: {  	s2 =	sld [smem:$0x3FD9]  }
0x89: {  	s3 =	sld [smem:$0x3FFE];
	_ =	sdelay $0x1  }
0x8a: {  	s1 =	srdreg.scid  }
0x8b: {  	s0 =	sand.u32 $0x1, s1  }
0x8c: {  	s14 =	sshll.u32 s0, $0xA;
	s2 =	sadd.s32 s3, s2  }
0x8d: {  	s2 =	sadd.s32 s2, s14  }
0x8e: {  	[smem:$0x3FBB] =	sst s2  }
0x8f: {  	_ = 	snop  }
0x90: {  	s2 =	sld [smem:$0x3FC9]  }
0x91: {  	s15 =	sld [smem:$0x3FC8]  }
0x92: {  	s4 =	sld [smem:$0x3FD0]  }
0x93: {  	s5 =	sld [smem:$0x3FC6]  }
0x94: {  	s6 =	sld [smem:$0x3FC5]  }
0x95: {  	s8 =	simm.s32 $0xA;
	s9 =	simm.s32 $0x10;
	s7 =	sld [smem:$0x3FC4]  }
0x96: {  	[smem:s9], [sflag:s8] =	dma.local [hbm:s4], $0x1  }
0x97: {  	_ =	swait.eq [sflag:s8], $0x1  }
0x98: {  	s16 =	sld [smem:$0x10];
	[sflag:s8] =	ssyncset.done $0x0  }
0x99: {  	s17 =	sld [smem:$0x11];
	[sflag:s8] =	ssyncadd.s32 $0xFFFFFFFF  }
0x9a: {  	s18 =	sld [smem:$0x12];
	(tm) =	ssettm $0x1  }
0x9b: {  	s10 =	sld [smem:$0x3FFB];
	_ =	sdelay $0x3  }
0x9c: {  	_ =	strace s10  }
0x9d: {  	s10 =	sld [smem:$0x3FFC];
	_ =	sdelay $0x3  }
0x9e: {  	_ =	strace s10  }
0x9f: {  	s10 =	sld [smem:$0x3FFD];
	_ =	sdelay $0x3  }
0xa0: {  	_ =	strace s10  }
0xa1: {  	_ =	strace $0x8FFFFFFF  }
0xa2: {  	s19 =	sld [smem:$0x3FDB];
	_ =	sdelay $0x1  }
0xa3: {  	s11 =	simm.s32 $_scs_section_size  }
0xa4: {  	s12 =	simm.s32 $_size__tile_overlayer_lowered;
	s13 =	simm.s32 $_tile_overlayer_lowered  }
0xa5: {  	s22 =	simm.s32 $0x1BFF;
	s21 =	sshll.u32 s13, $0x1;
	s10 =	sadd.s32 s11, s19  }
0xa6: {  	s20 =	sshll.u32 s12, $0x1;
	s14 =	simm.s32 $0x0;
	s12 =	sadd.s32 s21, s10  }
0xa7: {  	[timem:s14], [sflag:s22] =	dma.local [hbm:s12], s20  }
0xa8: {  	_ =	swait.ge [sflag:s22], s20  }
0xa9: {  	s11 =	ssub.s32 $0x0, s20;
	[sflag:s22] =	ssyncset.done $0x0  }
0xaa: {  	[sflag:s22] =	ssyncadd.s32 s11;
	_ =	sdelay $0x1  }
0xab: {  	s23 =	simm.s32 $0x1B8B  }
0xac: {  	_ =	swait.ge [sflag:s23], $0x1  }
0xad: {  	[sflag:s23] =	ssyncset.done $0x0  }
0xae: {  	s25 =	simm.s32 $0x1B8E;
	s24 =	sld [smem:$0x3FFE];
	[sflag:s23] =	ssyncadd.s32 $0xFFFFFFFF  }
0xaf: {  	s26 =	simm.s32 $execute0_lowered;
	[smem:$0x3FD2] =	sst s25  }
0xb0: {  	s12 =	sshll.u32 s26, $0x1;
	_ =	strace $0x80000046;
	[dreg:$0x1] =	wrdreg $0xFFFFFFFF  }
0xb1: {  	s28 =	simm.s32 $_size_execute0_lowered;
	s10 =	sadd.s32 s10, s12;
	[dreg:$0x0] =	wrdreg $0x0  }
0xb2: {  	s12 =	sshll.u32 s28, $0x1;
	[dreg:$0x2] =	wrdreg s10  }
0xb3: {  	[dreg:$0x3] =	wrdreg s12  }
0xb4: {  	[dreg:$0x4] =	wrdreg $0xC0  }
0xb5: {  	_ =	task [dreg:s14], $0x5FFFF  }
0xb6: {  	[dreg:$0x1] =	wrdreg $0xFFFFFFFF  }
0xb7: {  	[dreg:$0x0] =	wrdreg $0x60  }
0xb8: {  	[dreg:$0x2] =	wrdreg s2  }
0xb9: {  	[dreg:$0x3] =	wrdreg s15  }
0xba: {  	[dreg:$0x4] =	wrdreg s5  }
0xbb: {  	[dreg:$0x5] =	wrdreg s6  }
0xbc: {  	[dreg:$0x6] =	wrdreg s7  }
0xbd: {  	[dreg:$0x7] =	wrdreg s24  }
0xbe: {  	[dreg:$0x8] =	wrdreg s17  }
0xbf: {  	[dreg:$0x9] =	wrdreg s18  }
0xc0: {  	[dreg:$0xa] =	wrdreg s16  }
0xc1: {  	[dreg:$0xb] =	wrdreg $0x9  }
0xc2: {  	_ =	task.clear_ibuf [dreg:s14], $0xCFFFF;
	_ =	strace $0x90000046  }
0xc3: {  	s29 =	simm.s32 $0x9;
	_ =	strace $0x80000048  }
0xc4: {  	_ =	swait.ge [sflag:s29], $0x1  }
0xc5: {  	[sflag:s29] =	ssyncadd.s32 $0xFFFFFFFF  }
0xc6: {  	_ =	strace $0x90000048  }
0xc7: {  	_ =	sfence  }
0xc8: {  	s30 =	sld [smem:$0x0];
	_ =	sdelay $0x2  }
0xc9: {  	s31 =	sshll.u32 s1, $0xD;
	s1 =	sshrl.u32 s1, $0x2  }
0xca: {  	s3 =	sand.u32 $0x4000, s31;
	s1 =	sadd.s32 s1, s30  }
0xcb: {  	s0 =	sor.u32 s3, s0;
	s1 =	sshll.u32 s1, $0x11  }
0xcc: {  	s0 =	sor.u32 s1, s0  }
0xcd: {  	s0 =	sadd.s32 $0x8F2B, s0  }
0xce: {  	[sflag:s0] =	ssyncadd.remote.s32 $0x1  }
0xcf: {  	_ =	sfence.sel $0xFFFF  }
0xd0: {  	[dreg:$0x0] =	wrdreg $0xFFFFFFFF;
	(pc) =	sbr.abs _section_cstart, $3  }
0xd1: {  	[dreg:$0x1] =	wrdreg $0xFFFFFFFF  }
0xd2: {  	_ =	task.clear_ibuf [dreg:s14], $0x2FFFF;
	_ =	strace $0x9FFFFFFF  }
0xd3: {  	(tm) =	ssettm $0x7FFFFFFF  }
tec
execute0_lowered:
.L_overlay_start_1:
0x0: {  	(tag) =	ssettag $0x1  }
0x1: {  	s0 =	rddreg [dreg:$0x0]  }
0x2: {  	s1 =	rddreg [dreg:$0x1]  }
0x3: {  	s3 =	rddreg [dreg:$0x2]  }
0x4: {  	s4 =	rddreg [dreg:$0x3]  }
0x5: {  	s5 =	rddreg [dreg:$0x4]  }
0x6: {  	s6 =	rddreg [dreg:$0x5]  }
0x7: {  	s7 =	rddreg [dreg:$0x6]  }
0x8: {  	s2 =	srdreg.scid;
	s8 =	rddreg [dreg:$0x7]  }
0x9: {  	s11 =	stileid.u32;
	s10 =	rddreg [dreg:$0x8]  }
0xa: {  	s30 =	simm.s32 $0x5;
	s29 =	simm.s32 $0x200;
	s9 =	sand.u32 $0x1, s2  }
0xb: {  	p0 =	por $0x0, $0x0;
	s11 =	sshll.u32 s11, $0xA;
	s12 =	sshll.u32 s9, $0x9  }
0xc: {  	s28 =	simm.s32 $0x100;
	s2 =	simm.s32 $0x0;
	s11 =	sor.u32 s12, s11  }
0xd: {  	s13 =	sadd.s32 $0x3E00, s6;
	[smem:$0x7FF] =	sst s2;
	s12 =	sshrl.u32 s11, $0x3  }
0xe: {  	s9 =	ssub.s32 $0x2, s9;
	_ =	strace $0x80000047;
	s0 =	sadd.s32 s0, s12  }
0xf: {  	s19 =	sshll.u32 s11, $0x4;
	s18 =	sadd.s32 s1, s12;
	[dreg:$0xa] =	wrdreg s0  }
0x10: {  	s23 =	sor.u32 $0x80, s11;
	s20 =	sadd.s32 s7, s19;
	[dreg:$0xb] =	wrdreg s18  }
0x11: {  	s21 =	sadd.s32 s8, s19;
	s22 =	sadd.s32 s13, s19;
	[dreg:$0xc] =	wrdreg s20  }
0x12: {  	s24 =	sadd.s32 s10, s12;
	s14 =	sshll.u32 s23, $0x4;
	[dreg:$0xd] =	wrdreg s21  }
0x13: {  	s12 =	sadd.s32 $0xC00, s6;
	s1 =	sshrl.u32 s23, $0x3;
	[dreg:$0xe] =	wrdreg s22  }
0x14: {  	s23 =	sor.u32 $0x180, s11;
	[dreg:$0xf] =	wrdreg s24;
	s25 =	sadd.s32 s7, s14  }
0x15: {  	s26 =	sadd.s32 s8, s14;
	s6 =	sadd.s32 s13, s14;
	[dreg:$0x10] =	wrdreg s25  }
0x16: {  	s14 =	sor.u32 $0x100, s11;
	s15 =	sadd.s32 s10, s1;
	[dreg:$0x11] =	wrdreg s26  }
0x17: {  	s18 =	sshrl.u32 s9, $0x1;
	s1 =	sshrl.u32 s23, $0x3;
	[dreg:$0x12] =	wrdreg s6  }
0x18: {  	s11 =	simm.s32 $0x3;
	s16 =	sshll.u32 s14, $0x4;
	[dreg:$0x13] =	wrdreg s15  }
0x19: {  	s21 =	sshrl.u32 s14, $0x3;
	s24 =	ssub.s32 s9, s18;
	s25 =	sshll.u32 s23, $0x4  }
0x1a: {  	s23 =	simm.s32 $0x80;
	s18 =	simm.s32 $0x18400;
	s14 =	simm.s32 $0xC400  }
0x1b: {  	s15 =	simm.s32 $0x14400;
	s6 =	simm.s32 $0x4;
	s0 =	rddreg [dreg:$0xa]  }
0x1c: {  	s17 =	sadd.s32 s7, s16;
	s19 =	sadd.s32 s8, s16;
	s20 =	sadd.s32 s13, s16  }
0x1d: {  	s22 =	sadd.s32 s10, s21;
	s7 =	sadd.s32 s7, s25;
	s8 =	sadd.s32 s8, s25  }
0x1e: {  	s9 =	sadd.s32 s13, s25;
	s10 =	sadd.s32 s10, s1;
	s26 =	smax.u32 s24, $0x1  }
0x1f: {  	s21 =	simm.s32 $0x400;
	[dreg:$0x14] =	wrdreg s17;
	p1 =	sne.s32 s26, $0x1  }
.Ltmp0:
0x20: {  	s13 =	simm.s32 $0x4400;
	[dreg:$0x15] =	wrdreg s19;
	(pc) =	sbr.rel @!p1 .LBB2_5-.Ltmp0, $4  }
0x21: {  	s1 =	simm.s32 $0x280;
	s16 =	simm.s32 $0x18480;
	[dreg:$0x16] =	wrdreg s20  }
0x22: {  	s25 =	simm.s32 $0x180;
	s24 =	simm.s32 $0x380;
	[dreg:$0x17] =	wrdreg s22  }
0x23: {  	s19 =	simm.s32 $0x8400;
	s17 =	simm.s32 $0x10400;
	s22 =	simm.s32 $0x1  }
0x24: {  	s31 =	sadd.s32 $0xFFFFFFFF, s26;
	s26 =	simm.s32 $0x300;
	s20 =	simm.s32 $0x2  }
0x25: {  	[tilespmem:s2], [sflag:$0x5] =	stream.linear.gather [hbm4b:s0+s2], $0x200, $0x38;
	[tilespmem:$0x18500] =	vst v63  }
0x26: {  	_ =	swait.ge [sflag:s30], $0x200  }
0x27: {  	[sflag:s30] =	ssyncset.done $0x0  }
0x28: {  	s0 =	rddreg [dreg:$0xb];
	[sflag:s30] =	ssyncadd.s32 $0xFFFFFE00  }
0x29: {  	[tilespmem:s29], [sflag:$0x5] =	stream.linear.gather [hbm4b:s0+s2], $0x200, $0x38;
	[tilespmem:$0x18500] =	vst v63  }
0x2a: {  	_ =	swait.ge [sflag:s30], $0x200  }
0x2b: {  	[sflag:s30] =	ssyncset.done $0x0  }
0x2c: {  	[sflag:s30] =	ssyncadd.s32 $0xFFFFFE00  }
0x2d: {  	[tilespmem:s21], [sflag:$0x1] =	stream.indirect.gather [hbm4b:s3+s23], $0x80, s2, s23, $0xb8;
	[tilespmem:$0x18500] =	vst v63  }
0x2e: {  	_ = 	snop  }
0x2f: {  	[tilespmem:s19], [sflag:$0x1] =	stream.indirect.gather [hbm4b:s4+s23], $0x80, s2, s23, $0xb8;
	[tilespmem:$0x18500] =	vst v63  }
0x30: {  	_ = 	snop  }
0x31: {  	[tilespmem:s17], [sflag:$0x1] =	stream.indirect.gather [hbm4b:s5+s23], $0x80, s29, s23, $0xb8;
	[tilespmem:$0x18500] =	vst v63  }
0x32: {  	_ = 	snop  }
0x33: {  	[tilespmem:s18], [sflag:$0x1] =	stream.indirect.gather [hbm4b:s12+s23], $0x1, s29, s23, $0xb8;
	[tilespmem:$0x18500] =	vst v63  }
0x34: {  	_ = 	snop  }
0x35: {  	[tilespmem:s13], [sflag:$0x2] =	stream.indirect.gather [hbm4b:s3+s23], $0x80, s23, s23, $0xb8;
	[tilespmem:$0x18500] =	vst v63  }
0x36: {  	_ = 	snop  }
0x37: {  	[tilespmem:s14], [sflag:$0x2] =	stream.indirect.gather [hbm4b:s4+s23], $0x80, s23, s23, $0xb8;
	[tilespmem:$0x18500] =	vst v63  }
0x38: {  	_ = 	snop  }
0x39: {  	[tilespmem:s15], [sflag:$0x2] =	stream.indirect.gather [hbm4b:s5+s23], $0x80, s1, s23, $0xb8;
	[tilespmem:$0x18500] =	vst v63  }
0x3a: {  	_ = 	snop  }
0x3b: {  	[tilespmem:s16], [sflag:$0x2] =	stream.indirect.gather [hbm4b:s12+s23], $0x1, s1, s23, $0xb8;
	[tilespmem:$0x18500] =	vst v63  }
0x3c: {  	_ =	swait.ge [sflag:s22], $0x4000  }
0x3d: {  	[sflag:s22] =	ssyncset.done $0x0  }
0x3e: {  	[sflag:s22] =	ssyncadd.s32 $0xFFFFC000  }
0x3f: {  	_ =	swait.ge [sflag:s22], $0x4000  }
0x40: {  	[sflag:s22] =	ssyncset.done $0x0  }
0x41: {  	[sflag:s22] =	ssyncadd.s32 $0xFFFFC000  }
0x42: {  	_ =	swait.ge [sflag:s22], $0x4000  }
0x43: {  	[sflag:s22] =	ssyncset.done $0x0  }
0x44: {  	[sflag:s22] =	ssyncadd.s32 $0xFFFFC000  }
0x45: {  	_ =	swait.ge [sflag:s22], $0x80  }
0x46: {  	[sflag:s22] =	ssyncset.done $0x0  }
0x47: {  	s0 =	rddreg [dreg:$0xc];
	[sflag:s22] =	ssyncadd.s32 $0xFFFFFF80  }
0x48: {  	[hbm4b:s0+s2] =	stream.linear.scatter [tilespmem:s21], [sflag:$0x3], $0x4000, $0x38;
	[tilespmem:$0x18500] =	vst v63  }
0x49: {  	s1 =	rddreg [dreg:$0xd]  }
0x4a: {  	[hbm4b:s1+s2] =	stream.linear.scatter [tilespmem:s19], [sflag:$0x3], $0x4000, $0x38;
	[tilespmem:$0x18500] =	vst v63  }
0x4b: {  	s0 =	rddreg [dreg:$0xe]  }
0x4c: {  	[hbm4b:s0+s2] =	stream.linear.scatter [tilespmem:s17], [sflag:$0x3], $0x4000, $0x38;
	[tilespmem:$0x18500] =	vst v63  }
0x4d: {  	s1 =	rddreg [dreg:$0xf]  }
0x4e: {  	[hbm4b:s1+s2] =	stream.linear.scatter [tilespmem:s18], [sflag:$0x3], $0x80, $0x38;
	[tilespmem:$0x18500] =	vst v63  }
0x4f: {  	_ =	swait.ge [sflag:s11], $0x4000  }
0x50: {  	[sflag:s11] =	ssyncset.done $0x0  }
0x51: {  	[sflag:s11] =	ssyncadd.s32 $0xFFFFC000  }
0x52: {  	_ =	swait.ge [sflag:s11], $0x4000  }
0x53: {  	[sflag:s11] =	ssyncset.done $0x0  }
0x54: {  	[sflag:s11] =	ssyncadd.s32 $0xFFFFC000  }
0x55: {  	_ =	swait.ge [sflag:s11], $0x4000  }
0x56: {  	[sflag:s11] =	ssyncset.done $0x0  }
0x57: {  	[sflag:s11] =	ssyncadd.s32 $0xFFFFC000  }
0x58: {  	_ =	swait.ge [sflag:s11], $0x80  }
0x59: {  	[sflag:s11] =	ssyncset.done $0x0  }
0x5a: {  	[sflag:s11] =	ssyncadd.s32 $0xFFFFFF80  }
0x5b: {  	[tilespmem:s21], [sflag:$0x1] =	stream.indirect.gather [hbm4b:s3+s23], $0x80, s28, s23, $0xb8;
	[tilespmem:$0x18500] =	vst v63  }
0x5c: {  	_ = 	snop  }
0x5d: {  	[tilespmem:s19], [sflag:$0x1] =	stream.indirect.gather [hbm4b:s4+s23], $0x80, s28, s23, $0xb8;
	[tilespmem:$0x18500] =	vst v63  }
0x5e: {  	_ = 	snop  }
0x5f: {  	[tilespmem:s17], [sflag:$0x1] =	stream.indirect.gather [hbm4b:s5+s23], $0x80, s26, s23, $0xb8;
	[tilespmem:$0x18500] =	vst v63  }
0x60: {  	_ = 	snop  }
0x61: {  	[tilespmem:s18], [sflag:$0x1] =	stream.indirect.gather [hbm4b:s12+s23], $0x1, s26, s23, $0xb8;
	[tilespmem:$0x18500] =	vst v63  }
0x62: {  	_ =	swait.ge [sflag:s20], $0x4000  }
0x63: {  	[sflag:s20] =	ssyncset.done $0x0  }
0x64: {  	[sflag:s20] =	ssyncadd.s32 $0xFFFFC000  }
0x65: {  	_ =	swait.ge [sflag:s20], $0x4000  }
0x66: {  	[sflag:s20] =	ssyncset.done $0x0  }
0x67: {  	[sflag:s20] =	ssyncadd.s32 $0xFFFFC000  }
0x68: {  	_ =	swait.ge [sflag:s20], $0x4000  }
0x69: {  	[sflag:s20] =	ssyncset.done $0x0  }
0x6a: {  	[sflag:s20] =	ssyncadd.s32 $0xFFFFC000  }
0x6b: {  	_ =	swait.ge [sflag:s20], $0x80  }
0x6c: {  	[sflag:s20] =	ssyncset.done $0x0  }
0x6d: {  	s1 =	rddreg [dreg:$0x10];
	[sflag:s20] =	ssyncadd.s32 $0xFFFFFF80  }
0x6e: {  	[hbm4b:s1+s2] =	stream.linear.scatter [tilespmem:s13], [sflag:$0x4], $0x4000, $0x38;
	[tilespmem:$0x18500] =	vst v63  }
0x6f: {  	s26 =	rddreg [dreg:$0x11]  }
0x70: {  	[hbm4b:s26+s2] =	stream.linear.scatter [tilespmem:s14], [sflag:$0x4], $0x4000, $0x38;
	[tilespmem:$0x18500] =	vst v63  }
0x71: {  	s0 =	rddreg [dreg:$0x12]  }
0x72: {  	[hbm4b:s0+s2] =	stream.linear.scatter [tilespmem:s15], [sflag:$0x4], $0x4000, $0x38;
	[tilespmem:$0x18500] =	vst v63  }
0x73: {  	s26 =	rddreg [dreg:$0x13]  }
0x74: {  	[hbm4b:s26+s2] =	stream.linear.scatter [tilespmem:s16], [sflag:$0x4], $0x80, $0x38;
	[tilespmem:$0x18500] =	vst v63  }
0x75: {  	_ =	swait.ge [sflag:s6], $0x4000  }
0x76: {  	[sflag:s6] =	ssyncset.done $0x0  }
0x77: {  	[sflag:s6] =	ssyncadd.s32 $0xFFFFC000  }
0x78: {  	_ =	swait.ge [sflag:s6], $0x4000  }
0x79: {  	[sflag:s6] =	ssyncset.done $0x0  }
0x7a: {  	[sflag:s6] =	ssyncadd.s32 $0xFFFFC000  }
0x7b: {  	_ =	swait.ge [sflag:s6], $0x4000  }
0x7c: {  	[sflag:s6] =	ssyncset.done $0x0  }
0x7d: {  	[sflag:s6] =	ssyncadd.s32 $0xFFFFC000  }
0x7e: {  	_ =	swait.ge [sflag:s6], $0x80  }
0x7f: {  	[sflag:s6] =	ssyncset.done $0x0  }
0x80: {  	[sflag:s6] =	ssyncadd.s32 $0xFFFFFF80  }
0x81: {  	[tilespmem:s13], [sflag:$0x2] =	stream.indirect.gather [hbm4b:s3+s23], $0x80, s25, s23, $0xb8;
	[tilespmem:$0x18500] =	vst v63  }
0x82: {  	_ = 	snop  }
0x83: {  	[tilespmem:s14], [sflag:$0x2] =	stream.indirect.gather [hbm4b:s4+s23], $0x80, s25, s23, $0xb8;
	[tilespmem:$0x18500] =	vst v63  }
0x84: {  	_ = 	snop  }
0x85: {  	[tilespmem:s15], [sflag:$0x2] =	stream.indirect.gather [hbm4b:s5+s23], $0x80, s24, s23, $0xb8;
	[tilespmem:$0x18500] =	vst v63  }
0x86: {  	_ = 	snop  }
0x87: {  	[tilespmem:s16], [sflag:$0x2] =	stream.indirect.gather [hbm4b:s12+s23], $0x1, s24, s23, $0xb8;
	[tilespmem:$0x18500] =	vst v63  }
0x88: {  	_ =	swait.ge [sflag:s22], $0x4000  }
0x89: {  	[sflag:s22] =	ssyncset.done $0x0  }
0x8a: {  	[sflag:s22] =	ssyncadd.s32 $0xFFFFC000  }
0x8b: {  	_ =	swait.ge [sflag:s22], $0x4000  }
0x8c: {  	[sflag:s22] =	ssyncset.done $0x0  }
0x8d: {  	[sflag:s22] =	ssyncadd.s32 $0xFFFFC000  }
0x8e: {  	_ =	swait.ge [sflag:s22], $0x4000  }
0x8f: {  	[sflag:s22] =	ssyncset.done $0x0  }
0x90: {  	[sflag:s22] =	ssyncadd.s32 $0xFFFFC000  }
0x91: {  	_ =	swait.ge [sflag:s22], $0x80  }
0x92: {  	[sflag:s22] =	ssyncset.done $0x0  }
0x93: {  	s1 =	rddreg [dreg:$0x14];
	[sflag:s22] =	ssyncadd.s32 $0xFFFFFF80  }
0x94: {  	[hbm4b:s1+s2] =	stream.linear.scatter [tilespmem:s21], [sflag:$0x3], $0x4000, $0x38;
	[tilespmem:$0x18500] =	vst v63  }
0x95: {  	s24 =	rddreg [dreg:$0x15]  }
0x96: {  	[hbm4b:s24+s2] =	stream.linear.scatter [tilespmem:s19], [sflag:$0x3], $0x4000, $0x38;
	[tilespmem:$0x18500] =	vst v63  }
0x97: {  	s25 =	rddreg [dreg:$0x16]  }
0x98: {  	[hbm4b:s25+s2] =	stream.linear.scatter [tilespmem:s17], [sflag:$0x3], $0x4000, $0x38;
	[tilespmem:$0x18500] =	vst v63  }
0x99: {  	s26 =	rddreg [dreg:$0x17]  }
0x9a: {  	[hbm4b:s26+s2] =	stream.linear.scatter [tilespmem:s18], [sflag:$0x3], $0x80, $0x38;
	[tilespmem:$0x18500] =	vst v63  }
0x9b: {  	_ =	swait.ge [sflag:s20], $0x4000  }
0x9c: {  	[sflag:s20] =	ssyncset.done $0x0  }
0x9d: {  	[sflag:s20] =	ssyncadd.s32 $0xFFFFC000  }
0x9e: {  	_ =	swait.ge [sflag:s20], $0x4000  }
0x9f: {  	[sflag:s20] =	ssyncset.done $0x0  }
0xa0: {  	[sflag:s20] =	ssyncadd.s32 $0xFFFFC000  }
0xa1: {  	_ =	swait.ge [sflag:s20], $0x4000  }
0xa2: {  	[sflag:s20] =	ssyncset.done $0x0  }
0xa3: {  	[sflag:s20] =	ssyncadd.s32 $0xFFFFC000  }
0xa4: {  	_ =	swait.ge [sflag:s20], $0x80  }
0xa5: {  	[sflag:s20] =	ssyncset.done $0x0  }
0xa6: {  	[sflag:s20] =	ssyncadd.s32 $0xFFFFFF80  }
0xa7: {  	[hbm4b:s7+s2] =	stream.linear.scatter [tilespmem:s13], [sflag:$0x4], $0x4000, $0x38;
	[tilespmem:$0x18500] =	vst v63  }
0xa8: {  	_ = 	snop  }
0xa9: {  	[hbm4b:s8+s2] =	stream.linear.scatter [tilespmem:s14], [sflag:$0x4], $0x4000, $0x38;
	[tilespmem:$0x18500] =	vst v63  }
0xaa: {  	_ = 	snop  }
0xab: {  	[hbm4b:s9+s2] =	stream.linear.scatter [tilespmem:s15], [sflag:$0x4], $0x4000, $0x38;
	[tilespmem:$0x18500] =	vst v63  }
0xac: {  	_ = 	snop  }
0xad: {  	[hbm4b:s10+s2] =	stream.linear.scatter [tilespmem:s16], [sflag:$0x4], $0x80, $0x38;
	[tilespmem:$0x18500] =	vst v63  }
0xae: {  	_ =	swait.ge [sflag:s11], $0x4000  }
0xaf: {  	[sflag:s11] =	ssyncset.done $0x0  }
0xb0: {  	[sflag:s11] =	ssyncadd.s32 $0xFFFFC000  }
0xb1: {  	_ =	swait.ge [sflag:s11], $0x4000  }
0xb2: {  	[sflag:s11] =	ssyncset.done $0x0  }
0xb3: {  	[sflag:s11] =	ssyncadd.s32 $0xFFFFC000  }
0xb4: {  	_ =	swait.ge [sflag:s11], $0x4000  }
0xb5: {  	[sflag:s11] =	ssyncset.done $0x0  }
0xb6: {  	[sflag:s11] =	ssyncadd.s32 $0xFFFFC000  }
0xb7: {  	_ =	swait.ge [sflag:s11], $0x80  }
0xb8: {  	[sflag:s11] =	ssyncset.done $0x0  }
0xb9: {  	[sflag:s11] =	ssyncadd.s32 $0xFFFFFF80  }
0xba: {  	_ =	swait.ge [sflag:s6], $0x4000  }
0xbb: {  	[sflag:s6] =	ssyncset.done $0x0  }
0xbc: {  	[sflag:s6] =	ssyncadd.s32 $0xFFFFC000  }
0xbd: {  	_ =	swait.ge [sflag:s6], $0x4000  }
0xbe: {  	[sflag:s6] =	ssyncset.done $0x0  }
0xbf: {  	p1 =	sne.s32 s31, $0x1;
	[sflag:s6] =	ssyncadd.s32 $0xFFFFC000  }
.Ltmp1:
0xc0: {  	_ =	swait.ge [sflag:s6], $0x4000;
	(pc) =	sbr.rel @!p1 .LBB2_2-.Ltmp1, $4  }
0xc1: {  	p0 =	por $0x1, $0x1;
	[sflag:s6] =	ssyncset.done $0x0  }
0xc2: {  	s28 =	simm.s32 $0x300;
	s1 =	sadd.s32 $0xFFFFFFFF, s31;
	[sflag:s6] =	ssyncadd.s32 $0xFFFFC000  }
0xc3: {  	s31 =	simm.s32 $0x100;
	s25 =	simm.s32 $0x380;
	_ =	swait.ge [sflag:s6], $0x80  }
0xc4: {  	s26 =	simm.s32 $0x180;
	s0 =	rddreg [dreg:$0xa];
	[sflag:s6] =	ssyncset.done $0x0  }
.LBB2_3:
0xc5: {  	[sflag:s6] =	ssyncadd.s32 $0xFFFFFF80  }
0xc6: {  	[tilespmem:s2], [sflag:$0x5] =	stream.linear.gather [hbm4b:s0+s2], $0x200, $0x38;
	[tilespmem:$0x18500] =	vst v63  }
0xc7: {  	_ =	swait.ge [sflag:s30], $0x200  }
0xc8: {  	[sflag:s30] =	ssyncset.done $0x0  }
0xc9: {  	s24 =	rddreg [dreg:$0xb];
	[sflag:s30] =	ssyncadd.s32 $0xFFFFFE00  }
0xca: {  	[tilespmem:s29], [sflag:$0x5] =	stream.linear.gather [hbm4b:s24+s2], $0x200, $0x38;
	[tilespmem:$0x18500] =	vst v63  }
0xcb: {  	_ =	swait.ge [sflag:s30], $0x200  }
0xcc: {  	[sflag:s30] =	ssyncset.done $0x0  }
0xcd: {  	[sflag:s30] =	ssyncadd.s32 $0xFFFFFE00  }
0xce: {  	[tilespmem:s21], [sflag:$0x1] =	stream.indirect.gather [hbm4b:s3+s23], $0x80, s2, s23, $0xb8;
	[tilespmem:$0x18500] =	vst v63  }
0xcf: {  	_ = 	snop  }
0xd0: {  	[tilespmem:s19], [sflag:$0x1] =	stream.indirect.gather [hbm4b:s4+s23], $0x80, s2, s23, $0xb8;
	[tilespmem:$0x18500] =	vst v63  }
0xd1: {  	_ = 	snop  }
0xd2: {  	[tilespmem:s17], [sflag:$0x1] =	stream.indirect.gather [hbm4b:s5+s23], $0x80, s29, s23, $0xb8;
	[tilespmem:$0x18500] =	vst v63  }
0xd3: {  	_ = 	snop  }
0xd4: {  	[tilespmem:s18], [sflag:$0x1] =	stream.indirect.gather [hbm4b:s12+s23], $0x1, s29, s23, $0xb8;
	[tilespmem:$0x18500] =	vst v63  }
0xd5: {  	_ = 	snop  }
0xd6: {  	[tilespmem:s13], [sflag:$0x2] =	stream.indirect.gather [hbm4b:s3+s23], $0x80, s23, s23, $0xb8;
	[tilespmem:$0x18500] =	vst v63  }
0xd7: {  	_ = 	snop  }
0xd8: {  	[tilespmem:s14], [sflag:$0x2] =	stream.indirect.gather [hbm4b:s4+s23], $0x80, s23, s23, $0xb8;
	[tilespmem:$0x18500] =	vst v63  }
0xd9: {  	s24 =	simm.s32 $0x280  }
0xda: {  	[tilespmem:s15], [sflag:$0x2] =	stream.indirect.gather [hbm4b:s5+s23], $0x80, s24, s23, $0xb8;
	[tilespmem:$0x18500] =	vst v63  }
0xdb: {  	_ = 	snop  }
0xdc: {  	[tilespmem:s16], [sflag:$0x2] =	stream.indirect.gather [hbm4b:s12+s23], $0x1, s24, s23, $0xb8;
	[tilespmem:$0x18500] =	vst v63  }
0xdd: {  	_ =	swait.ge [sflag:s22], $0x4000  }
0xde: {  	[sflag:s22] =	ssyncset.done $0x0  }
0xdf: {  	[sflag:s22] =	ssyncadd.s32 $0xFFFFC000  }
0xe0: {  	_ =	swait.ge [sflag:s22], $0x4000  }
0xe1: {  	[sflag:s22] =	ssyncset.done $0x0  }
0xe2: {  	[sflag:s22] =	ssyncadd.s32 $0xFFFFC000  }
0xe3: {  	_ =	swait.ge [sflag:s22], $0x4000  }
0xe4: {  	[sflag:s22] =	ssyncset.done $0x0  }
0xe5: {  	[sflag:s22] =	ssyncadd.s32 $0xFFFFC000  }
0xe6: {  	_ =	swait.ge [sflag:s22], $0x80  }
0xe7: {  	s24 =	smov.u32 s10;
	[sflag:s22] =	ssyncset.done $0x0  }
0xe8: {  	s10 =	smov.u32 s9;
	s0 =	rddreg [dreg:$0xc];
	[sflag:s22] =	ssyncadd.s32 $0xFFFFFF80  }
0xe9: {  	[hbm4b:s0+s2] =	stream.linear.scatter [tilespmem:s21], [sflag:$0x3], $0x4000, $0x38;
	[tilespmem:$0x18500] =	vst v63  }
0xea: {  	s9 =	smov.u32 s8;
	s8 =	smov.u32 s7;
	s7 =	rddreg [dreg:$0xd]  }
0xeb: {  	[hbm4b:s7+s2] =	stream.linear.scatter [tilespmem:s19], [sflag:$0x3], $0x4000, $0x38;
	[tilespmem:$0x18500] =	vst v63  }
0xec: {  	s0 =	rddreg [dreg:$0xe]  }
0xed: {  	[hbm4b:s0+s2] =	stream.linear.scatter [tilespmem:s17], [sflag:$0x3], $0x4000, $0x38;
	[tilespmem:$0x18500] =	vst v63  }
0xee: {  	s7 =	rddreg [dreg:$0xf]  }
0xef: {  	[hbm4b:s7+s2] =	stream.linear.scatter [tilespmem:s18], [sflag:$0x3], $0x80, $0x38;
	[tilespmem:$0x18500] =	vst v63  }
0xf0: {  	_ =	swait.ge [sflag:s11], $0x4000  }
0xf1: {  	[sflag:s11] =	ssyncset.done $0x0  }
0xf2: {  	[sflag:s11] =	ssyncadd.s32 $0xFFFFC000  }
0xf3: {  	_ =	swait.ge [sflag:s11], $0x4000  }
0xf4: {  	[sflag:s11] =	ssyncset.done $0x0  }
0xf5: {  	[sflag:s11] =	ssyncadd.s32 $0xFFFFC000  }
0xf6: {  	_ =	swait.ge [sflag:s11], $0x4000  }
0xf7: {  	[sflag:s11] =	ssyncset.done $0x0  }
0xf8: {  	[sflag:s11] =	ssyncadd.s32 $0xFFFFC000  }
0xf9: {  	_ =	swait.ge [sflag:s11], $0x80  }
0xfa: {  	[sflag:s11] =	ssyncset.done $0x0  }
0xfb: {  	[sflag:s11] =	ssyncadd.s32 $0xFFFFFF80  }
0xfc: {  	[tilespmem:s21], [sflag:$0x1] =	stream.indirect.gather [hbm4b:s3+s23], $0x80, s31, s23, $0xb8;
	[tilespmem:$0x18500] =	vst v63  }
0xfd: {  	_ = 	snop  }
0xfe: {  	[tilespmem:s19], [sflag:$0x1] =	stream.indirect.gather [hbm4b:s4+s23], $0x80, s31, s23, $0xb8;
	[tilespmem:$0x18500] =	vst v63  }
0xff: {  	_ = 	snop  }
0x100: {  	[tilespmem:s17], [sflag:$0x1] =	stream.indirect.gather [hbm4b:s5+s23], $0x80, s28, s23, $0xb8;
	[tilespmem:$0x18500] =	vst v63  }
0x101: {  	_ = 	snop  }
0x102: {  	[tilespmem:s18], [sflag:$0x1] =	stream.indirect.gather [hbm4b:s12+s23], $0x1, s28, s23, $0xb8;
	[tilespmem:$0x18500] =	vst v63  }
0x103: {  	_ =	swait.ge [sflag:s20], $0x4000  }
0x104: {  	[sflag:s20] =	ssyncset.done $0x0  }
0x105: {  	[sflag:s20] =	ssyncadd.s32 $0xFFFFC000  }
0x106: {  	_ =	swait.ge [sflag:s20], $0x4000  }
0x107: {  	[sflag:s20] =	ssyncset.done $0x0  }
0x108: {  	[sflag:s20] =	ssyncadd.s32 $0xFFFFC000  }
0x109: {  	_ =	swait.ge [sflag:s20], $0x4000  }
0x10a: {  	[sflag:s20] =	ssyncset.done $0x0  }
0x10b: {  	[sflag:s20] =	ssyncadd.s32 $0xFFFFC000  }
0x10c: {  	_ =	swait.ge [sflag:s20], $0x80  }
0x10d: {  	[sflag:s20] =	ssyncset.done $0x0  }
0x10e: {  	s0 =	rddreg [dreg:$0x10];
	[sflag:s20] =	ssyncadd.s32 $0xFFFFFF80  }
0x10f: {  	[hbm4b:s0+s2] =	stream.linear.scatter [tilespmem:s13], [sflag:$0x4], $0x4000, $0x38;
	[tilespmem:$0x18500] =	vst v63  }
0x110: {  	s7 =	rddreg [dreg:$0x11]  }
0x111: {  	[hbm4b:s7+s2] =	stream.linear.scatter [tilespmem:s14], [sflag:$0x4], $0x4000, $0x38;
	[tilespmem:$0x18500] =	vst v63  }
0x112: {  	s0 =	rddreg [dreg:$0x12]  }
0x113: {  	[hbm4b:s0+s2] =	stream.linear.scatter [tilespmem:s15], [sflag:$0x4], $0x4000, $0x38;
	[tilespmem:$0x18500] =	vst v63  }
0x114: {  	s7 =	rddreg [dreg:$0x13]  }
0x115: {  	[hbm4b:s7+s2] =	stream.linear.scatter [tilespmem:s16], [sflag:$0x4], $0x80, $0x38;
	[tilespmem:$0x18500] =	vst v63  }
0x116: {  	_ =	swait.ge [sflag:s6], $0x4000  }
0x117: {  	[sflag:s6] =	ssyncset.done $0x0  }
0x118: {  	[sflag:s6] =	ssyncadd.s32 $0xFFFFC000  }
0x119: {  	_ =	swait.ge [sflag:s6], $0x4000  }
0x11a: {  	[sflag:s6] =	ssyncset.done $0x0  }
0x11b: {  	[sflag:s6] =	ssyncadd.s32 $0xFFFFC000  }
0x11c: {  	_ =	swait.ge [sflag:s6], $0x4000  }
0x11d: {  	[sflag:s6] =	ssyncset.done $0x0  }
0x11e: {  	[sflag:s6] =	ssyncadd.s32 $0xFFFFC000  }
0x11f: {  	_ =	swait.ge [sflag:s6], $0x80  }
0x120: {  	[sflag:s6] =	ssyncset.done $0x0  }
0x121: {  	[sflag:s6] =	ssyncadd.s32 $0xFFFFFF80  }
0x122: {  	[tilespmem:s13], [sflag:$0x2] =	stream.indirect.gather [hbm4b:s3+s23], $0x80, s26, s23, $0xb8;
	[tilespmem:$0x18500] =	vst v63  }
0x123: {  	_ = 	snop  }
0x124: {  	[tilespmem:s14], [sflag:$0x2] =	stream.indirect.gather [hbm4b:s4+s23], $0x80, s26, s23, $0xb8;
	[tilespmem:$0x18500] =	vst v63  }
0x125: {  	_ = 	snop  }
0x126: {  	[tilespmem:s15], [sflag:$0x2] =	stream.indirect.gather [hbm4b:s5+s23], $0x80, s25, s23, $0xb8;
	[tilespmem:$0x18500] =	vst v63  }
0x127: {  	_ = 	snop  }
0x128: {  	[tilespmem:s16], [sflag:$0x2] =	stream.indirect.gather [hbm4b:s12+s23], $0x1, s25, s23, $0xb8;
	[tilespmem:$0x18500] =	vst v63  }
0x129: {  	_ =	swait.ge [sflag:s22], $0x4000  }
0x12a: {  	[sflag:s22] =	ssyncset.done $0x0  }
0x12b: {  	[sflag:s22] =	ssyncadd.s32 $0xFFFFC000  }
0x12c: {  	_ =	swait.ge [sflag:s22], $0x4000  }
0x12d: {  	[sflag:s22] =	ssyncset.done $0x0  }
0x12e: {  	[sflag:s22] =	ssyncadd.s32 $0xFFFFC000  }
0x12f: {  	_ =	swait.ge [sflag:s22], $0x4000  }
0x130: {  	[sflag:s22] =	ssyncset.done $0x0  }
0x131: {  	[sflag:s22] =	ssyncadd.s32 $0xFFFFC000  }
0x132: {  	_ =	swait.ge [sflag:s22], $0x80  }
0x133: {  	[sflag:s22] =	ssyncset.done $0x0  }
0x134: {  	s0 =	rddreg [dreg:$0x14];
	[sflag:s22] =	ssyncadd.s32 $0xFFFFFF80  }
0x135: {  	[hbm4b:s0+s2] =	stream.linear.scatter [tilespmem:s21], [sflag:$0x3], $0x4000, $0x38;
	[tilespmem:$0x18500] =	vst v63  }
0x136: {  	s7 =	rddreg [dreg:$0x15]  }
0x137: {  	[hbm4b:s7+s2] =	stream.linear.scatter [tilespmem:s19], [sflag:$0x3], $0x4000, $0x38;
	[tilespmem:$0x18500] =	vst v63  }
0x138: {  	s0 =	rddreg [dreg:$0x16]  }
0x139: {  	[hbm4b:s0+s2] =	stream.linear.scatter [tilespmem:s17], [sflag:$0x3], $0x4000, $0x38;
	[tilespmem:$0x18500] =	vst v63  }
0x13a: {  	s7 =	rddreg [dreg:$0x17]  }
0x13b: {  	[hbm4b:s7+s2] =	stream.linear.scatter [tilespmem:s18], [sflag:$0x3], $0x80, $0x38;
	[tilespmem:$0x18500] =	vst v63  }
0x13c: {  	_ =	swait.ge [sflag:s20], $0x4000  }
0x13d: {  	[sflag:s20] =	ssyncset.done $0x0  }
0x13e: {  	[sflag:s20] =	ssyncadd.s32 $0xFFFFC000  }
0x13f: {  	_ =	swait.ge [sflag:s20], $0x4000  }
0x140: {  	[sflag:s20] =	ssyncset.done $0x0  }
0x141: {  	[sflag:s20] =	ssyncadd.s32 $0xFFFFC000  }
0x142: {  	_ =	swait.ge [sflag:s20], $0x4000  }
0x143: {  	[sflag:s20] =	ssyncset.done $0x0  }
0x144: {  	[sflag:s20] =	ssyncadd.s32 $0xFFFFC000  }
0x145: {  	_ =	swait.ge [sflag:s20], $0x80  }
0x146: {  	[sflag:s20] =	ssyncset.done $0x0  }
0x147: {  	s7 =	smov.u32 s8;
	[sflag:s20] =	ssyncadd.s32 $0xFFFFFF80  }
0x148: {  	[hbm4b:s7+s2] =	stream.linear.scatter [tilespmem:s13], [sflag:$0x4], $0x4000, $0x38;
	[tilespmem:$0x18500] =	vst v63  }
0x149: {  	s8 =	smov.u32 s9  }
0x14a: {  	[hbm4b:s8+s2] =	stream.linear.scatter [tilespmem:s14], [sflag:$0x4], $0x4000, $0x38;
	[tilespmem:$0x18500] =	vst v63  }
0x14b: {  	s9 =	smov.u32 s10  }
0x14c: {  	[hbm4b:s9+s2] =	stream.linear.scatter [tilespmem:s15], [sflag:$0x4], $0x4000, $0x38;
	[tilespmem:$0x18500] =	vst v63  }
0x14d: {  	_ = 	snop  }
0x14e: {  	[hbm4b:s24+s2] =	stream.linear.scatter [tilespmem:s16], [sflag:$0x4], $0x80, $0x38;
	[tilespmem:$0x18500] =	vst v63  }
0x14f: {  	_ =	swait.ge [sflag:s11], $0x4000  }
0x150: {  	[sflag:s11] =	ssyncset.done $0x0  }
0x151: {  	[sflag:s11] =	ssyncadd.s32 $0xFFFFC000  }
0x152: {  	_ =	swait.ge [sflag:s11], $0x4000  }
0x153: {  	[sflag:s11] =	ssyncset.done $0x0  }
0x154: {  	[sflag:s11] =	ssyncadd.s32 $0xFFFFC000  }
0x155: {  	_ =	swait.ge [sflag:s11], $0x4000  }
0x156: {  	[sflag:s11] =	ssyncset.done $0x0  }
0x157: {  	[sflag:s11] =	ssyncadd.s32 $0xFFFFC000  }
0x158: {  	_ =	swait.ge [sflag:s11], $0x80  }
0x159: {  	[sflag:s11] =	ssyncset.done $0x0  }
0x15a: {  	[sflag:s11] =	ssyncadd.s32 $0xFFFFFF80  }
0x15b: {  	_ =	swait.ge [sflag:s6], $0x4000  }
0x15c: {  	[sflag:s6] =	ssyncset.done $0x0  }
0x15d: {  	[sflag:s6] =	ssyncadd.s32 $0xFFFFC000  }
0x15e: {  	_ =	swait.ge [sflag:s6], $0x4000  }
0x15f: {  	[sflag:s6] =	ssyncset.done $0x0  }
0x160: {  	p1 =	sne.s32 s1, $0x1;
	[sflag:s6] =	ssyncadd.s32 $0xFFFFC000  }
.Ltmp2:
0x161: {  	_ =	swait.ge [sflag:s6], $0x4000;
	(pc) =	sbr.rel @p1 .LBB2_3-.Ltmp2, $4  }
0x162: {  	[sflag:s6] =	ssyncset.done $0x0  }
0x163: {  	[sflag:s6] =	ssyncadd.s32 $0xFFFFC000  }
0x164: {  	s1 =	sadd.s32 $0xFFFFFFFF, s1;
	_ =	swait.ge [sflag:s6], $0x80  }
0x165: {  	s10 =	smov.u32 s24;
	s0 =	rddreg [dreg:$0xa];
	[sflag:s6] =	ssyncset.done $0x0  }
0x166: {  	s24 =	simm.s32 $0x380;
	s25 =	simm.s32 $0x180  }
0x167: {  	s26 =	simm.s32 $0x300;
	s28 =	simm.s32 $0x100;
	s1 =	simm.s32 $0x280  }
.LBB2_5:
0x168: {  	[sflag:s6] =	ssyncadd.s32 @p0 $0xFFFFFF80  }
0x169: {  	[tilespmem:s2], [sflag:$0x5] =	stream.linear.gather [hbm4b:s0+s2], $0x200, $0x38;
	[tilespmem:$0x18500] =	vst v63  }
0x16a: {  	_ =	swait.ge [sflag:s30], $0x200  }
0x16b: {  	[sflag:s30] =	ssyncset.done $0x0  }
0x16c: {  	s31 =	rddreg [dreg:$0xb];
	[sflag:s30] =	ssyncadd.s32 $0xFFFFFE00  }
0x16d: {  	[tilespmem:s29], [sflag:$0x5] =	stream.linear.gather [hbm4b:s31+s2], $0x200, $0x38;
	[tilespmem:$0x18500] =	vst v63  }
0x16e: {  	_ =	swait.ge [sflag:s30], $0x200  }
0x16f: {  	[sflag:s30] =	ssyncset.done $0x0  }
0x170: {  	[sflag:s30] =	ssyncadd.s32 $0xFFFFFE00  }
0x171: {  	[tilespmem:s21], [sflag:$0x1] =	stream.indirect.gather [hbm4b:s3+s23], $0x80, s2, s23, $0xb8;
	[tilespmem:$0x18500] =	vst v63  }
0x172: {  	_ = 	snop  }
0x173: {  	[tilespmem:s19], [sflag:$0x1] =	stream.indirect.gather [hbm4b:s4+s23], $0x80, s2, s23, $0xb8;
	[tilespmem:$0x18500] =	vst v63  }
0x174: {  	_ = 	snop  }
0x175: {  	[tilespmem:s17], [sflag:$0x1] =	stream.indirect.gather [hbm4b:s5+s23], $0x80, s29, s23, $0xb8;
	[tilespmem:$0x18500] =	vst v63  }
0x176: {  	_ = 	snop  }
0x177: {  	[tilespmem:s18], [sflag:$0x1] =	stream.indirect.gather [hbm4b:s12+s23], $0x1, s29, s23, $0xb8;
	[tilespmem:$0x18500] =	vst v63  }
0x178: {  	_ = 	snop  }
0x179: {  	[tilespmem:s13], [sflag:$0x2] =	stream.indirect.gather [hbm4b:s3+s23], $0x80, s23, s23, $0xb8;
	[tilespmem:$0x18500] =	vst v63  }
0x17a: {  	_ = 	snop  }
0x17b: {  	[tilespmem:s14], [sflag:$0x2] =	stream.indirect.gather [hbm4b:s4+s23], $0x80, s23, s23, $0xb8;
	[tilespmem:$0x18500] =	vst v63  }
0x17c: {  	_ = 	snop  }
0x17d: {  	[tilespmem:s15], [sflag:$0x2] =	stream.indirect.gather [hbm4b:s5+s23], $0x80, s1, s23, $0xb8;
	[tilespmem:$0x18500] =	vst v63  }
0x17e: {  	_ = 	snop  }
0x17f: {  	[tilespmem:s16], [sflag:$0x2] =	stream.indirect.gather [hbm4b:s12+s23], $0x1, s1, s23, $0xb8;
	[tilespmem:$0x18500] =	vst v63  }
0x180: {  	_ =	swait.ge [sflag:s22], $0x4000  }
0x181: {  	[sflag:s22] =	ssyncset.done $0x0  }
0x182: {  	[sflag:s22] =	ssyncadd.s32 $0xFFFFC000  }
0x183: {  	_ =	swait.ge [sflag:s22], $0x4000  }
0x184: {  	[sflag:s22] =	ssyncset.done $0x0  }
0x185: {  	[sflag:s22] =	ssyncadd.s32 $0xFFFFC000  }
0x186: {  	_ =	swait.ge [sflag:s22], $0x4000  }
0x187: {  	[sflag:s22] =	ssyncset.done $0x0  }
0x188: {  	[sflag:s22] =	ssyncadd.s32 $0xFFFFC000  }
0x189: {  	_ =	swait.ge [sflag:s22], $0x80  }
0x18a: {  	[sflag:s22] =	ssyncset.done $0x0  }
0x18b: {  	s1 =	rddreg [dreg:$0xc];
	[sflag:s22] =	ssyncadd.s32 $0xFFFFFF80  }
0x18c: {  	[hbm4b:s1+s2] =	stream.linear.scatter [tilespmem:s21], [sflag:$0x3], $0x4000, $0x38;
	[tilespmem:$0x18500] =	vst v63  }
0x18d: {  	s29 =	rddreg [dreg:$0xd]  }
0x18e: {  	[hbm4b:s29+s2] =	stream.linear.scatter [tilespmem:s19], [sflag:$0x3], $0x4000, $0x38;
	[tilespmem:$0x18500] =	vst v63  }
0x18f: {  	s30 =	rddreg [dreg:$0xe]  }
0x190: {  	[hbm4b:s30+s2] =	stream.linear.scatter [tilespmem:s17], [sflag:$0x3], $0x4000, $0x38;
	[tilespmem:$0x18500] =	vst v63  }
0x191: {  	s31 =	rddreg [dreg:$0xf]  }
0x192: {  	[hbm4b:s31+s2] =	stream.linear.scatter [tilespmem:s18], [sflag:$0x3], $0x80, $0x38;
	[tilespmem:$0x18500] =	vst v63  }
0x193: {  	_ =	swait.ge [sflag:s11], $0x4000  }
0x194: {  	[sflag:s11] =	ssyncset.done $0x0  }
0x195: {  	[sflag:s11] =	ssyncadd.s32 $0xFFFFC000  }
0x196: {  	_ =	swait.ge [sflag:s11], $0x4000  }
0x197: {  	[sflag:s11] =	ssyncset.done $0x0  }
0x198: {  	[sflag:s11] =	ssyncadd.s32 $0xFFFFC000  }
0x199: {  	_ =	swait.ge [sflag:s11], $0x4000  }
0x19a: {  	[sflag:s11] =	ssyncset.done $0x0  }
0x19b: {  	[sflag:s11] =	ssyncadd.s32 $0xFFFFC000  }
0x19c: {  	_ =	swait.ge [sflag:s11], $0x80  }
0x19d: {  	[sflag:s11] =	ssyncset.done $0x0  }
0x19e: {  	[sflag:s11] =	ssyncadd.s32 $0xFFFFFF80  }
0x19f: {  	[tilespmem:s21], [sflag:$0x1] =	stream.indirect.gather [hbm4b:s3+s23], $0x80, s28, s23, $0xb8;
	[tilespmem:$0x18500] =	vst v63  }
0x1a0: {  	_ = 	snop  }
0x1a1: {  	[tilespmem:s19], [sflag:$0x1] =	stream.indirect.gather [hbm4b:s4+s23], $0x80, s28, s23, $0xb8;
	[tilespmem:$0x18500] =	vst v63  }
0x1a2: {  	_ = 	snop  }
0x1a3: {  	[tilespmem:s17], [sflag:$0x1] =	stream.indirect.gather [hbm4b:s5+s23], $0x80, s26, s23, $0xb8;
	[tilespmem:$0x18500] =	vst v63  }
0x1a4: {  	_ = 	snop  }
0x1a5: {  	[tilespmem:s18], [sflag:$0x1] =	stream.indirect.gather [hbm4b:s12+s23], $0x1, s26, s23, $0xb8;
	[tilespmem:$0x18500] =	vst v63  }
0x1a6: {  	_ =	swait.ge [sflag:s20], $0x4000  }
0x1a7: {  	[sflag:s20] =	ssyncset.done $0x0  }
0x1a8: {  	[sflag:s20] =	ssyncadd.s32 $0xFFFFC000  }
0x1a9: {  	_ =	swait.ge [sflag:s20], $0x4000  }
0x1aa: {  	[sflag:s20] =	ssyncset.done $0x0  }
0x1ab: {  	[sflag:s20] =	ssyncadd.s32 $0xFFFFC000  }
0x1ac: {  	_ =	swait.ge [sflag:s20], $0x4000  }
0x1ad: {  	[sflag:s20] =	ssyncset.done $0x0  }
0x1ae: {  	[sflag:s20] =	ssyncadd.s32 $0xFFFFC000  }
0x1af: {  	_ =	swait.ge [sflag:s20], $0x80  }
0x1b0: {  	[sflag:s20] =	ssyncset.done $0x0  }
0x1b1: {  	s28 =	rddreg [dreg:$0x10];
	[sflag:s20] =	ssyncadd.s32 $0xFFFFFF80  }
0x1b2: {  	[hbm4b:s28+s2] =	stream.linear.scatter [tilespmem:s13], [sflag:$0x4], $0x4000, $0x38;
	[tilespmem:$0x18500] =	vst v63  }
0x1b3: {  	s29 =	rddreg [dreg:$0x11]  }
0x1b4: {  	[hbm4b:s29+s2] =	stream.linear.scatter [tilespmem:s14], [sflag:$0x4], $0x4000, $0x38;
	[tilespmem:$0x18500] =	vst v63  }
0x1b5: {  	s30 =	rddreg [dreg:$0x12]  }
0x1b6: {  	[hbm4b:s30+s2] =	stream.linear.scatter [tilespmem:s15], [sflag:$0x4], $0x4000, $0x38;
	[tilespmem:$0x18500] =	vst v63  }
0x1b7: {  	s31 =	rddreg [dreg:$0x13]  }
0x1b8: {  	[hbm4b:s31+s2] =	stream.linear.scatter [tilespmem:s16], [sflag:$0x4], $0x80, $0x38;
	[tilespmem:$0x18500] =	vst v63  }
0x1b9: {  	_ =	swait.ge [sflag:s6], $0x4000  }
0x1ba: {  	[sflag:s6] =	ssyncset.done $0x0  }
0x1bb: {  	[sflag:s6] =	ssyncadd.s32 $0xFFFFC000  }
0x1bc: {  	_ =	swait.ge [sflag:s6], $0x4000  }
0x1bd: {  	[sflag:s6] =	ssyncset.done $0x0  }
0x1be: {  	[sflag:s6] =	ssyncadd.s32 $0xFFFFC000  }
0x1bf: {  	_ =	swait.ge [sflag:s6], $0x4000  }
0x1c0: {  	[sflag:s6] =	ssyncset.done $0x0  }
0x1c1: {  	[sflag:s6] =	ssyncadd.s32 $0xFFFFC000  }
0x1c2: {  	_ =	swait.ge [sflag:s6], $0x80  }
0x1c3: {  	[sflag:s6] =	ssyncset.done $0x0  }
0x1c4: {  	[sflag:s6] =	ssyncadd.s32 $0xFFFFFF80  }
0x1c5: {  	[tilespmem:s13], [sflag:$0x2] =	stream.indirect.gather [hbm4b:s3+s23], $0x80, s25, s23, $0xb8;
	[tilespmem:$0x18500] =	vst v63  }
0x1c6: {  	_ = 	snop  }
0x1c7: {  	[tilespmem:s14], [sflag:$0x2] =	stream.indirect.gather [hbm4b:s4+s23], $0x80, s25, s23, $0xb8;
	[tilespmem:$0x18500] =	vst v63  }
0x1c8: {  	_ = 	snop  }
0x1c9: {  	[tilespmem:s15], [sflag:$0x2] =	stream.indirect.gather [hbm4b:s5+s23], $0x80, s24, s23, $0xb8;
	[tilespmem:$0x18500] =	vst v63  }
0x1ca: {  	_ = 	snop  }
0x1cb: {  	[tilespmem:s16], [sflag:$0x2] =	stream.indirect.gather [hbm4b:s12+s23], $0x1, s24, s23, $0xb8;
	[tilespmem:$0x18500] =	vst v63  }
0x1cc: {  	_ =	swait.ge [sflag:s22], $0x4000  }
0x1cd: {  	[sflag:s22] =	ssyncset.done $0x0  }
0x1ce: {  	[sflag:s22] =	ssyncadd.s32 $0xFFFFC000  }
0x1cf: {  	_ =	swait.ge [sflag:s22], $0x4000  }
0x1d0: {  	[sflag:s22] =	ssyncset.done $0x0  }
0x1d1: {  	[sflag:s22] =	ssyncadd.s32 $0xFFFFC000  }
0x1d2: {  	_ =	swait.ge [sflag:s22], $0x4000  }
0x1d3: {  	[sflag:s22] =	ssyncset.done $0x0  }
0x1d4: {  	[sflag:s22] =	ssyncadd.s32 $0xFFFFC000  }
0x1d5: {  	_ =	swait.ge [sflag:s22], $0x80  }
0x1d6: {  	[sflag:s22] =	ssyncset.done $0x0  }
0x1d7: {  	s26 =	rddreg [dreg:$0x14];
	[sflag:s22] =	ssyncadd.s32 $0xFFFFFF80  }
0x1d8: {  	[hbm4b:s26+s2] =	stream.linear.scatter [tilespmem:s21], [sflag:$0x3], $0x4000, $0x38;
	[tilespmem:$0x18500] =	vst v63  }
0x1d9: {  	s28 =	rddreg [dreg:$0x15]  }
0x1da: {  	[hbm4b:s28+s2] =	stream.linear.scatter [tilespmem:s19], [sflag:$0x3], $0x4000, $0x38;
	[tilespmem:$0x18500] =	vst v63  }
0x1db: {  	s29 =	rddreg [dreg:$0x16]  }
0x1dc: {  	[hbm4b:s29+s2] =	stream.linear.scatter [tilespmem:s17], [sflag:$0x3], $0x4000, $0x38;
	[tilespmem:$0x18500] =	vst v63  }
0x1dd: {  	s30 =	rddreg [dreg:$0x17]  }
0x1de: {  	[hbm4b:s30+s2] =	stream.linear.scatter [tilespmem:s18], [sflag:$0x3], $0x80, $0x38;
	[tilespmem:$0x18500] =	vst v63  }
0x1df: {  	_ =	swait.ge [sflag:s20], $0x4000  }
0x1e0: {  	[sflag:s20] =	ssyncset.done $0x0  }
0x1e1: {  	[sflag:s20] =	ssyncadd.s32 $0xFFFFC000  }
0x1e2: {  	_ =	swait.ge [sflag:s20], $0x4000  }
0x1e3: {  	[sflag:s20] =	ssyncset.done $0x0  }
0x1e4: {  	[sflag:s20] =	ssyncadd.s32 $0xFFFFC000  }
0x1e5: {  	_ =	swait.ge [sflag:s20], $0x4000  }
0x1e6: {  	[sflag:s20] =	ssyncset.done $0x0  }
0x1e7: {  	[sflag:s20] =	ssyncadd.s32 $0xFFFFC000  }
0x1e8: {  	_ =	swait.ge [sflag:s20], $0x80  }
0x1e9: {  	[sflag:s20] =	ssyncset.done $0x0  }
0x1ea: {  	[sflag:s20] =	ssyncadd.s32 $0xFFFFFF80  }
0x1eb: {  	[hbm4b:s7+s2] =	stream.linear.scatter [tilespmem:s13], [sflag:$0x4], $0x4000, $0x38;
	[tilespmem:$0x18500] =	vst v63  }
0x1ec: {  	_ = 	snop  }
0x1ed: {  	[hbm4b:s8+s2] =	stream.linear.scatter [tilespmem:s14], [sflag:$0x4], $0x4000, $0x38;
	[tilespmem:$0x18500] =	vst v63  }
0x1ee: {  	_ = 	snop  }
0x1ef: {  	[hbm4b:s9+s2] =	stream.linear.scatter [tilespmem:s15], [sflag:$0x4], $0x4000, $0x38;
	[tilespmem:$0x18500] =	vst v63  }
0x1f0: {  	_ = 	snop  }
0x1f1: {  	[hbm4b:s10+s2] =	stream.linear.scatter [tilespmem:s16], [sflag:$0x4], $0x80, $0x38;
	[tilespmem:$0x18500] =	vst v63  }
0x1f2: {  	_ =	swait.ge [sflag:s11], $0x4000  }
0x1f3: {  	[sflag:s11] =	ssyncset.done $0x0  }
0x1f4: {  	[sflag:s11] =	ssyncadd.s32 $0xFFFFC000  }
0x1f5: {  	_ =	swait.ge [sflag:s11], $0x4000  }
0x1f6: {  	[sflag:s11] =	ssyncset.done $0x0  }
0x1f7: {  	[sflag:s11] =	ssyncadd.s32 $0xFFFFC000  }
0x1f8: {  	_ =	swait.ge [sflag:s11], $0x4000  }
0x1f9: {  	[sflag:s11] =	ssyncset.done $0x0  }
0x1fa: {  	[sflag:s11] =	ssyncadd.s32 $0xFFFFC000  }
0x1fb: {  	_ =	swait.ge [sflag:s11], $0x80  }
0x1fc: {  	[sflag:s11] =	ssyncset.done $0x0  }
0x1fd: {  	[sflag:s11] =	ssyncadd.s32 $0xFFFFFF80  }
0x1fe: {  	_ =	swait.ge [sflag:s6], $0x4000  }
0x1ff: {  	[sflag:s6] =	ssyncset.done $0x0  }
0x200: {  	[sflag:s6] =	ssyncadd.s32 $0xFFFFC000  }
0x201: {  	_ =	swait.ge [sflag:s6], $0x4000  }
0x202: {  	[sflag:s6] =	ssyncset.done $0x0  }
0x203: {  	[sflag:s6] =	ssyncadd.s32 $0xFFFFC000  }
0x204: {  	_ =	swait.ge [sflag:s6], $0x4000  }
0x205: {  	[sflag:s6] =	ssyncset.done $0x0  }
0x206: {  	[sflag:s6] =	ssyncadd.s32 $0xFFFFC000  }
0x207: {  	_ =	swait.ge [sflag:s6], $0x80  }
0x208: {  	[sflag:s6] =	ssyncset.done $0x0  }
0x209: {  	[sflag:s6] =	ssyncadd.s32 $0xFFFFFF80  }
0x20a: {  	_ =	sfence.sel $0x180000  }
0x20b: {  	[bflag:$0x0] =	sbarrier.arrive $0xFFFF  }
0x20c: {  	_ =	strace $0x90000047  }
0x20d: {  	s31 =	stileid.u32;
	[bflag:$0x2] =	sbarrier.arrive $0xFFFF  }
0x20e: {  	p0 =	sne.s32 s31, $0x0;
	s0 =	rddreg [dreg:$0x9]  }
0x20f: {  	s0 =	sadd.s32 @!p0 $0x100000, s0  }
0x210: {  	[sflag:s0] =	ssyncadd.tile.s32 @!p0 $0x1;
	_ =	shalt  }
.LBB2_2:
.Ltmp3:
0x211: {  	(pc) =	sbr.rel .LBB2_5-.Ltmp3, $3  }
0x212: {  	_ =	sdelay $0x1  }
0x213: {  	s24 =	simm.s32 $0x380;
	s25 =	simm.s32 $0x180  }
0x214: {  	s26 =	simm.s32 $0x300;
	s28 =	simm.s32 $0x100;
	s1 =	simm.s32 $0x280  }
.Lfunc_end2:
_tile_overlayer_lowered:
.L_overlay_start_2:
0x215: {  	(tag) =	ssettag $0x2  }
0x216: {  	s0 =	rddreg [dreg:$0x0];
	s2 =	stileid.u32  }
0x217: {  	s1 =	rddreg [dreg:$0x1];
	p0 =	sne.s32 s2, $0x0  }
0x218: {  	s3 =	rddreg [dreg:$0x2];
	[bflag:$0x3] =	sbarrier.arrive $0xFFFF;
	s2 =	simm.s32 @!p0 $0x1C05  }
0x219: {  	[timem:s3], [sflag:s2] =	dma.local @!p0 [hbm:s0], s1  }
0x21a: {  	s0 =	simm.s32 @!p0 $0x5  }
0x21b: {  	_ =	swait.ge @!p0 [sflag:s0], s1  }
0x21c: {  	s1 =	ssub.s32 @!p0 $0x0, s1;
	[sflag:s0] =	ssyncset.done @!p0 $0x0  }
0x21d: {  	[sflag:s0] =	ssyncadd.s32 @!p0 s1  }
0x21e: {  	[bflag:$0x3] =	sbarrier.arrive $0xFFFF  }
0x21f: {  	_ =	shalt  }

</sc_bundles>
